<compile_context>
chip_gen: v7x
topology: tpu7x:2x2x1
jax: 0.10.2.dev20260603
libtpu: 0.0.44.dev20260713+nightly
codegen_flags: <defaults>
</compile_context>

<pallas_src>
import functools

import jax
import jax.numpy as jnp
from jax import lax
from jax.experimental import pallas as pl
from jax.experimental.pallas import tpu as pltpu
from jax.experimental.pallas import tpu_sc as plsc

M, D = 65536, 1024
BW, BR, BB = 1024, 512, 512

NC, NS = 2, 16
NW = NC * NS
R_PER_W = BR // NW
RES_PER_W = M // NW
J_PER_S = BW // NS
HALF = M // NC
GARBAGE_ROW = BB + BR
OUT_PAD = GARBAGE_ROW + R_PER_W


def _prep_body(ridx_ref, wrow_ref, wcol_ref, wg_ref, mtgt_ref, wtgt_ref,
               rtgt_ref):
    r = ridx_ref[...]
    w_row = wrow_ref[...]
    w_col = wcol_ref[...]

    eq = r == w_row
    j2 = lax.broadcasted_iota(jnp.int32, (BR, BW), 1)
    w = jnp.max(jnp.where(eq, j2, -1), axis=1, keepdims=True)
    i_col = lax.broadcasted_iota(jnp.int32, (BR, 1), 0)
    wg_ref[...] = jnp.where(w >= 0, w, i_col)
    garbage = GARBAGE_ROW + (i_col & (R_PER_W - 1))
    live = BB + i_col
    matched = w >= 0
    mtgt_ref[...] = jnp.where(matched, garbage, live)
    wtgt_ref[...] = jnp.where(matched, live, garbage)

    eqw = w_col == w_row
    jj = lax.broadcasted_iota(jnp.int32, (BW, BW), 1)
    winner_j = jnp.max(jnp.where(eqw, jj, -1), axis=1, keepdims=True)
    j_col = lax.broadcasted_iota(jnp.int32, (BW, 1), 0)
    rtgt_ref[...] = jnp.where(winner_j != j_col, M + j_col, w_col)


def _prep(read_idx, write_idx):
    wg, mtgt, wtgt, rtgt = pl.pallas_call(
        _prep_body,
        out_shape=(
            jax.ShapeDtypeStruct((BR, 1), jnp.int32),
            jax.ShapeDtypeStruct((BR, 1), jnp.int32),
            jax.ShapeDtypeStruct((BR, 1), jnp.int32),
            jax.ShapeDtypeStruct((BW, 1), jnp.int32),
        ),
    )(read_idx.reshape(BR, 1), write_idx.reshape(1, BW),
      write_idx.reshape(BW, 1))
    return (wg.reshape(BR), mtgt.reshape(BR), wtgt.reshape(BR),
            rtgt.reshape(BW))


@functools.partial(
    pl.kernel,
    mesh=plsc.VectorSubcoreMesh(core_axis_name="c", subcore_axis_name="s"),
    out_type=[
        jax.ShapeDtypeStruct((OUT_PAD, D), jnp.float32),
        jax.ShapeDtypeStruct((M,), jnp.float32),
    ],
    scratch_types=[
        pltpu.VMEM((R_PER_W,), jnp.int32),
        pltpu.VMEM((R_PER_W,), jnp.int32),
        pltpu.VMEM((R_PER_W,), jnp.int32),
        pltpu.VMEM((R_PER_W,), jnp.int32),
        pltpu.VMEM((R_PER_W, D), jnp.float32),
        pltpu.VMEM((R_PER_W, D), jnp.float32),
        pltpu.VMEM((R_PER_W, D), jnp.float32),
        pltpu.VMEM((RES_PER_W,), jnp.float32),
        pltpu.VMEM((J_PER_S,), jnp.int32),
        pltpu.VMEM((J_PER_S,), jnp.int32),
        pltpu.VMEM((J_PER_S,), jnp.float32),
        pltpu.VMEM_SHARED((HALF + NS * J_PER_S,), jnp.float32),
    ] + [pltpu.SemaphoreType.DMA] * 6,
)
def _sc_main(mem, resv, wvals, nres, batch, ridx, wg, mtgt, wtgt, rtgt,
             out, res_out,
             ridx_v, wg_v, mt_v, wt_v, rows_v, wrows_v, brows_v, res_v,
             rtgt_v, lres_v, nv_v, sres,
             s0, s1, s2, s3, s4, s5):
    cid = lax.axis_index("c")
    sid = lax.axis_index("s")
    wid = sid * NC + cid
    base_r = wid * R_PER_W
    lo = cid * HALF + sid * RES_PER_W
    base_j = sid * J_PER_S

    c_ridx = pltpu.async_copy(ridx.at[pl.ds(base_r, R_PER_W)], ridx_v, s0)
    c_wg = pltpu.async_copy(wg.at[pl.ds(base_r, R_PER_W)], wg_v, s1)
    c_mt = pltpu.async_copy(mtgt.at[pl.ds(base_r, R_PER_W)], mt_v, s2)
    c_wt = pltpu.async_copy(wtgt.at[pl.ds(base_r, R_PER_W)], wt_v, s3)
    c_b = pltpu.async_copy(batch.at[pl.ds(base_r, R_PER_W)], brows_v, s4)
    c_res = pltpu.async_copy(resv.at[pl.ds(lo, RES_PER_W)], res_v, s5)
    c_rt = pltpu.async_copy(rtgt.at[pl.ds(base_j, J_PER_S)], rtgt_v, s2)
    c_nv = pltpu.async_copy(nres.at[pl.ds(base_j, J_PER_S)], nv_v, s3)

    c_ridx.wait()
    gather = pltpu.async_copy(mem.at[ridx_v], rows_v, s0)
    c_wg.wait()
    wgather = pltpu.async_copy(wvals.at[wg_v], wrows_v, s1)

    c_b.wait()
    pub_b = pltpu.async_copy(brows_v, out.at[pl.ds(base_r, R_PER_W)], s4)

    lane = lax.iota(jnp.int32, 16)
    c_rt.wait()
    for cc in range(J_PER_S // 16):
        tgt = rtgt_v[pl.ds(cc * 16, 16)]
        m = (tgt >= cid * HALF) & (tgt < (cid + 1) * HALF)
        garb = HALF + sid * J_PER_S + cc * 16 + lane
        lres_v[pl.ds(cc * 16, 16)] = jnp.where(m, tgt - cid * HALF, garb)

    c_res.wait()
    pltpu.sync_copy(res_v, sres.at[pl.ds(sid * RES_PER_W, RES_PER_W)])
    plsc.subcore_barrier()
    c_nv.wait()
    pltpu.async_copy(nv_v, sres.at[lres_v], s3).wait()
    plsc.subcore_barrier()
    pub_res = pltpu.async_copy(
        sres.at[pl.ds(sid * RES_PER_W, RES_PER_W)],
        res_out.at[pl.ds(lo, RES_PER_W)], s5)

    gather.wait()
    c_mt.wait()
    sc1 = pltpu.async_copy(rows_v, out.at[mt_v], s0)
    wgather.wait()
    c_wt.wait()
    sc2 = pltpu.async_copy(wrows_v, out.at[wt_v], s1)
    pub_b.wait()
    pub_res.wait()
    sc1.wait()
    sc2.wait()


def kernel(mem, reservoir_vals, write_vals, new_reservoir, batch,
           write_idx, read_idx):
    wg, mtgt, wtgt, rtgt = _prep(read_idx, write_idx)
    out_pad, res2 = _sc_main(mem, reservoir_vals, write_vals, new_reservoir,
                             batch, read_idx, wg, mtgt, wtgt, rtgt)
    return out_pad[:BB + BR], res2

# --- scband reference (transcript-rebuilt; emitter-appended) ---
"""Pipeline reference for scband-clear-replay-handler-83760452207015 (READ-ONLY COPY).

The authoritative reference and input builder live on the scoring server;
editing this copy changes nothing except your own understanding.
"""

import jax, jax.numpy as jnp
import numpy as np

M, D = 65536, 1024
BW, BR, BB = 1024, 512, 512

def setup_inputs(seed: int = 0) -> dict:
    key = jax.random.key(seed)
    ks = jax.random.split(key, 7)
    mem = jax.random.normal(ks[0], (M, D), dtype=jnp.float32)
    reservoir_vals = jax.random.uniform(ks[1], (M,), dtype=jnp.float32)
    write_vals = jax.random.normal(ks[2], (BW, D), dtype=jnp.float32)
    new_reservoir = jax.random.uniform(ks[3], (BW,), dtype=jnp.float32, minval=0.001, maxval=1.0)
    batch = jax.random.normal(ks[4], (BB, D), dtype=jnp.float32)
    write_idx = jax.random.randint(ks[5], (BW,), 0, M, dtype=jnp.int32)
    read_idx = jax.random.randint(ks[6], (BR,), 0, M, dtype=jnp.int32)
    return {"mem": mem, "reservoir_vals": reservoir_vals, "write_vals": write_vals,
            "new_reservoir": new_reservoir, "batch": batch,
            "write_idx": write_idx, "read_idx": read_idx}

def reference(mem, reservoir_vals, write_vals, new_reservoir, batch, write_idx, read_idx):
    # on_act_unroll_complete: reservoir-sampled scatter-overwrite of rollout entries
    # into the file-backed replay memory, plus update of the reservoir values.
    mem2 = mem.at[write_idx].set(write_vals)
    res2 = reservoir_vals.at[write_idx].set(new_reservoir)
    # get_batch_for_training: gather sampled replay entries and concatenate
    # them with the fresh on-policy batch along the batch dimension.
    replay_batch = jnp.take(mem2, read_idx, axis=0)
    combo_batch = jnp.concatenate([batch, replay_batch], axis=0)
    return combo_batch, res2

if __name__ == "__main__":
    import jax
    _d = setup_inputs()
    print(jax.jit(kernel)(*tuple(_d.values())))

</pallas_src>

<mosaic_0001>
#map = affine_map<(d0, d1) -> (0, 0)>
#map1 = affine_map<(d0, d1) -> (0)>
module attributes {stable_mosaic.version = 14 : i64} {
  func.func @_sc_main(%arg0: i32, %arg1: i32, %arg2: memref<65536x1024xf32, #tpu.memory_space<hbm>>, %arg3: memref<65536xf32, #tpu.memory_space<hbm>>, %arg4: memref<1024x1024xf32, #tpu.memory_space<hbm>>, %arg5: memref<1024xf32, #tpu.memory_space<hbm>>, %arg6: memref<512x1024xf32, #tpu.memory_space<hbm>>, %arg7: memref<512xi32, #tpu.memory_space<hbm>>, %arg8: memref<512xi32, #tpu.memory_space<hbm>>, %arg9: memref<512xi32, #tpu.memory_space<hbm>>, %arg10: memref<512xi32, #tpu.memory_space<hbm>>, %arg11: memref<1024xi32, #tpu.memory_space<hbm>>, %arg12: memref<1040x1024xf32, #tpu.memory_space<hbm>>, %arg13: memref<65536xf32, #tpu.memory_space<hbm>>, %arg14: memref<16xi32, #tpu.memory_space<vmem>>, %arg15: memref<16xi32, #tpu.memory_space<vmem>>, %arg16: memref<16xi32, #tpu.memory_space<vmem>>, %arg17: memref<16xi32, #tpu.memory_space<vmem>>, %arg18: memref<16x1024xf32, #tpu.memory_space<vmem>>, %arg19: memref<16x1024xf32, #tpu.memory_space<vmem>>, %arg20: memref<16x1024xf32, #tpu.memory_space<vmem>>, %arg21: memref<2048xf32, #tpu.memory_space<vmem>>, %arg22: memref<64xi32, #tpu.memory_space<vmem>>, %arg23: memref<64xi32, #tpu.memory_space<vmem>>, %arg24: memref<64xf32, #tpu.memory_space<vmem>>, %arg25: memref<33792xf32, #tpu.memory_space<vmem_shared>>, %arg26: memref<!tpu.dma_semaphore, #tpu.memory_space<semaphore_mem>>, %arg27: memref<!tpu.dma_semaphore, #tpu.memory_space<semaphore_mem>>, %arg28: memref<!tpu.dma_semaphore, #tpu.memory_space<semaphore_mem>>, %arg29: memref<!tpu.dma_semaphore, #tpu.memory_space<semaphore_mem>>, %arg30: memref<!tpu.dma_semaphore, #tpu.memory_space<semaphore_mem>>, %arg31: memref<!tpu.dma_semaphore, #tpu.memory_space<semaphore_mem>>) attributes {dimension_semantics = [#tpu.dimension_semantics<core_parallel>, #tpu.dimension_semantics<subcore_parallel>], iteration_bounds = array<i64: 2, 16>, scalar_prefetch = 0 : i64, scratch_operands = 18 : i64, tpu.core_type = #tpu.core_type<sc_vector_subcore>, window_params = [{transform_indices = #map}, {transform_indices = #map1}, {transform_indices = #map}, {transform_indices = #map1}, {transform_indices = #map}, {transform_indices = #map1}, {transform_indices = #map1}, {transform_indices = #map1}, {transform_indices = #map1}, {transform_indices = #map1}, {transform_indices = #map}, {transform_indices = #map1}]} {
    %mul3A = arith.constant 2 : i32
    %mul3A_0 = arith.muli %arg1, %mul3A : i32
    %add3A = arith.addi %mul3A_0, %arg0 : i32
    %mul3A_1 = arith.constant 16 : i32
    %mul3A_2 = arith.muli %add3A, %mul3A_1 : i32
    %mul3A_3 = arith.constant 32768 : i32
    %mul3A_4 = arith.muli %arg0, %mul3A_3 : i32
    %mul3A_5 = arith.constant 2048 : i32
    %mul3A_6 = arith.muli %arg1, %mul3A_5 : i32
    %add3A_7 = arith.addi %mul3A_4, %mul3A_6 : i32
    %mul3A_8 = arith.constant 64 : i32
    %mul3A_9 = arith.muli %arg1, %mul3A_8 : i32
    %dma_start3A = tpu.memref_slice %arg7[%mul3A_2] : memref<512xi32, #tpu.memory_space<hbm>> -> memref<16xi32, #tpu.memory_space<hbm>>
    %dma_start3A_10 = tpu.memref_slice %arg7[%mul3A_2] : memref<512xi32, #tpu.memory_space<hbm>> -> memref<16xi32, #tpu.memory_space<hbm>>
    tpu.enqueue_dma source(%dma_start3A_10 : memref<16xi32, #tpu.memory_space<hbm>>) target(%arg14 : memref<16xi32, #tpu.memory_space<vmem>>) target_semaphore(%arg26 : memref<!tpu.dma_semaphore, #tpu.memory_space<semaphore_mem>>)
    %dma_start3A_11 = tpu.memref_slice %arg8[%mul3A_2] : memref<512xi32, #tpu.memory_space<hbm>> -> memref<16xi32, #tpu.memory_space<hbm>>
    %dma_start3A_12 = tpu.memref_slice %arg8[%mul3A_2] : memref<512xi32, #tpu.memory_space<hbm>> -> memref<16xi32, #tpu.memory_space<hbm>>
    tpu.enqueue_dma source(%dma_start3A_12 : memref<16xi32, #tpu.memory_space<hbm>>) target(%arg15 : memref<16xi32, #tpu.memory_space<vmem>>) target_semaphore(%arg27 : memref<!tpu.dma_semaphore, #tpu.memory_space<semaphore_mem>>)
    %dma_start3A_13 = tpu.memref_slice %arg9[%mul3A_2] : memref<512xi32, #tpu.memory_space<hbm>> -> memref<16xi32, #tpu.memory_space<hbm>>
    %dma_start3A_14 = tpu.memref_slice %arg9[%mul3A_2] : memref<512xi32, #tpu.memory_space<hbm>> -> memref<16xi32, #tpu.memory_space<hbm>>
    tpu.enqueue_dma source(%dma_start3A_14 : memref<16xi32, #tpu.memory_space<hbm>>) target(%arg16 : memref<16xi32, #tpu.memory_space<vmem>>) target_semaphore(%arg28 : memref<!tpu.dma_semaphore, #tpu.memory_space<semaphore_mem>>)
    %dma_start3A_15 = tpu.memref_slice %arg10[%mul3A_2] : memref<512xi32, #tpu.memory_space<hbm>> -> memref<16xi32, #tpu.memory_space<hbm>>
    %dma_start3A_16 = tpu.memref_slice %arg10[%mul3A_2] : memref<512xi32, #tpu.memory_space<hbm>> -> memref<16xi32, #tpu.memory_space<hbm>>
    tpu.enqueue_dma source(%dma_start3A_16 : memref<16xi32, #tpu.memory_space<hbm>>) target(%arg17 : memref<16xi32, #tpu.memory_space<vmem>>) target_semaphore(%arg29 : memref<!tpu.dma_semaphore, #tpu.memory_space<semaphore_mem>>)
    %dma_start3A_17 = arith.constant 0 : i32
    %dma_start3A_18 = tpu.memref_slice %arg6[%mul3A_2, %dma_start3A_17] : memref<512x1024xf32, #tpu.memory_space<hbm>> -> memref<16x1024xf32, #tpu.memory_space<hbm>>
    %dma_start3A_19 = arith.constant 0 : i32
    %dma_start3A_20 = tpu.memref_slice %arg6[%mul3A_2, %dma_start3A_19] : memref<512x1024xf32, #tpu.memory_space<hbm>> -> memref<16x1024xf32, #tpu.memory_space<hbm>>
    tpu.enqueue_dma source(%dma_start3A_20 : memref<16x1024xf32, #tpu.memory_space<hbm>>) target(%arg20 : memref<16x1024xf32, #tpu.memory_space<vmem>>) target_semaphore(%arg30 : memref<!tpu.dma_semaphore, #tpu.memory_space<semaphore_mem>>)
    %dma_start3A_21 = tpu.memref_slice %arg3[%add3A_7] : memref<65536xf32, #tpu.memory_space<hbm>> -> memref<2048xf32, #tpu.memory_space<hbm>>
    %dma_start3A_22 = tpu.memref_slice %arg3[%add3A_7] : memref<65536xf32, #tpu.memory_space<hbm>> -> memref<2048xf32, #tpu.memory_space<hbm>>
    tpu.enqueue_dma source(%dma_start3A_22 : memref<2048xf32, #tpu.memory_space<hbm>>) target(%arg21 : memref<2048xf32, #tpu.memory_space<vmem>>) target_semaphore(%arg31 : memref<!tpu.dma_semaphore, #tpu.memory_space<semaphore_mem>>)
    %dma_start3A_23 = tpu.memref_slice %arg11[%mul3A_9] : memref<1024xi32, #tpu.memory_space<hbm>> -> memref<64xi32, #tpu.memory_space<hbm>>
    %dma_start3A_24 = tpu.memref_slice %arg11[%mul3A_9] : memref<1024xi32, #tpu.memory_space<hbm>> -> memref<64xi32, #tpu.memory_space<hbm>>
    tpu.enqueue_dma source(%dma_start3A_24 : memref<64xi32, #tpu.memory_space<hbm>>) target(%arg22 : memref<64xi32, #tpu.memory_space<vmem>>) target_semaphore(%arg28 : memref<!tpu.dma_semaphore, #tpu.memory_space<semaphore_mem>>)
    %dma_start3A_25 = tpu.memref_slice %arg5[%mul3A_9] : memref<1024xf32, #tpu.memory_space<hbm>> -> memref<64xf32, #tpu.memory_space<hbm>>
    %dma_start3A_26 = tpu.memref_slice %arg5[%mul3A_9] : memref<1024xf32, #tpu.memory_space<hbm>> -> memref<64xf32, #tpu.memory_space<hbm>>
    tpu.enqueue_dma source(%dma_start3A_26 : memref<64xf32, #tpu.memory_space<hbm>>) target(%arg24 : memref<64xf32, #tpu.memory_space<vmem>>) target_semaphore(%arg29 : memref<!tpu.dma_semaphore, #tpu.memory_space<semaphore_mem>>)
    %dma_wait3A = tpu.memref_slice %arg7[%mul3A_2] : memref<512xi32, #tpu.memory_space<hbm>> -> memref<16xi32, #tpu.memory_space<hbm>>
    %dma_wait3A_27 = tpu.memref_slice %arg7[%mul3A_2] : memref<512xi32, #tpu.memory_space<hbm>> -> memref<16xi32, #tpu.memory_space<hbm>>
    tpu.wait_dma2 semaphore(%arg26 : memref<!tpu.dma_semaphore, #tpu.memory_space<semaphore_mem>>) src(%dma_wait3A_27 : memref<16xi32, #tpu.memory_space<hbm>>) dst(%arg14 : memref<16xi32, #tpu.memory_space<vmem>>)
    %dma_start3A_28 = arith.constant 0 : i32
    %dma_start3A_29 = arith.constant 0 : i32
    %dma_start3A_30 = tpu.memref_slice %arg2[%dma_start3A_28, %dma_start3A_29] : memref<65536x1024xf32, #tpu.memory_space<hbm>> -> memref<65536x1024xf32, #tpu.memory_space<hbm>>
    tpu.enqueue_indirect_dma source(%dma_start3A_30 : memref<65536x1024xf32, #tpu.memory_space<hbm>>) target(%arg18 : memref<16x1024xf32, #tpu.memory_space<vmem>>) offsets(%arg14 : memref<16xi32, #tpu.memory_space<vmem>>) semaphore(%arg26 : memref<!tpu.dma_semaphore, #tpu.memory_space<semaphore_mem>>)
    %dma_wait3A_31 = tpu.memref_slice %arg8[%mul3A_2] : memref<512xi32, #tpu.memory_space<hbm>> -> memref<16xi32, #tpu.memory_space<hbm>>
    %dma_wait3A_32 = tpu.memref_slice %arg8[%mul3A_2] : memref<512xi32, #tpu.memory_space<hbm>> -> memref<16xi32, #tpu.memory_space<hbm>>
    tpu.wait_dma2 semaphore(%arg27 : memref<!tpu.dma_semaphore, #tpu.memory_space<semaphore_mem>>) src(%dma_wait3A_32 : memref<16xi32, #tpu.memory_space<hbm>>) dst(%arg15 : memref<16xi32, #tpu.memory_space<vmem>>)
    %dma_start3A_33 = arith.constant 0 : i32
    %dma_start3A_34 = arith.constant 0 : i32
    %dma_start3A_35 = tpu.memref_slice %arg4[%dma_start3A_33, %dma_start3A_34] : memref<1024x1024xf32, #tpu.memory_space<hbm>> -> memref<1024x1024xf32, #tpu.memory_space<hbm>>
    tpu.enqueue_indirect_dma source(%dma_start3A_35 : memref<1024x1024xf32, #tpu.memory_space<hbm>>) target(%arg19 : memref<16x1024xf32, #tpu.memory_space<vmem>>) offsets(%arg15 : memref<16xi32, #tpu.memory_space<vmem>>) semaphore(%arg27 : memref<!tpu.dma_semaphore, #tpu.memory_space<semaphore_mem>>)
    %dma_wait3A_36 = arith.constant 0 : i32
    %dma_wait3A_37 = tpu.memref_slice %arg6[%mul3A_2, %dma_wait3A_36] : memref<512x1024xf32, #tpu.memory_space<hbm>> -> memref<16x1024xf32, #tpu.memory_space<hbm>>
    %dma_wait3A_38 = arith.constant 0 : i32
    %dma_wait3A_39 = tpu.memref_slice %arg6[%mul3A_2, %dma_wait3A_38] : memref<512x1024xf32, #tpu.memory_space<hbm>> -> memref<16x1024xf32, #tpu.memory_space<hbm>>
    tpu.wait_dma2 semaphore(%arg30 : memref<!tpu.dma_semaphore, #tpu.memory_space<semaphore_mem>>) src(%dma_wait3A_39 : memref<16x1024xf32, #tpu.memory_space<hbm>>) dst(%arg20 : memref<16x1024xf32, #tpu.memory_space<vmem>>)
    %dma_start3A_40 = arith.constant 0 : i32
    %dma_start3A_41 = tpu.memref_slice %arg12[%mul3A_2, %dma_start3A_40] : memref<1040x1024xf32, #tpu.memory_space<hbm>> -> memref<16x1024xf32, #tpu.memory_space<hbm>>
    %dma_start3A_42 = arith.constant 0 : i32
    %dma_start3A_43 = tpu.memref_slice %arg12[%mul3A_2, %dma_start3A_42] : memref<1040x1024xf32, #tpu.memory_space<hbm>> -> memref<16x1024xf32, #tpu.memory_space<hbm>>
    tpu.enqueue_dma source(%arg20 : memref<16x1024xf32, #tpu.memory_space<vmem>>) target(%dma_start3A_43 : memref<16x1024xf32, #tpu.memory_space<hbm>>) target_semaphore(%arg30 : memref<!tpu.dma_semaphore, #tpu.memory_space<semaphore_mem>>)
    %iota3A = tpu.iota {dimensions = array<i32: 0>} : vector<16xi32>
    %dma_wait3A_44 = tpu.memref_slice %arg11[%mul3A_9] : memref<1024xi32, #tpu.memory_space<hbm>> -> memref<64xi32, #tpu.memory_space<hbm>>
    %dma_wait3A_45 = tpu.memref_slice %arg11[%mul3A_9] : memref<1024xi32, #tpu.memory_space<hbm>> -> memref<64xi32, #tpu.memory_space<hbm>>
    tpu.wait_dma2 semaphore(%arg28 : memref<!tpu.dma_semaphore, #tpu.memory_space<semaphore_mem>>) src(%dma_wait3A_45 : memref<64xi32, #tpu.memory_space<hbm>>) dst(%arg22 : memref<64xi32, #tpu.memory_space<vmem>>)
    %get3A = arith.constant 0 : index
    %get3A_46 = tpu.vector_load %arg22[%get3A] {strides = array<i32>} : memref<64xi32, #tpu.memory_space<vmem>>, vector<16xi32>,
    %get3A_47 = vector.shape_cast %get3A_46 : vector<16xi32> to vector<16xi32>
    %mul3A_48 = arith.constant 32768 : i32
    %mul3A_49 = arith.muli %arg0, %mul3A_48 : i32
    %ge3A = vector.broadcast %mul3A_49 : i32 to vector<16xi32>
    %ge3A_50 = arith.cmpi sge, %get3A_47, %ge3A : vector<16xi32>
    %add3A_51 = arith.constant 1 : i32
    %add3A_52 = arith.addi %arg0, %add3A_51 : i32
    %mul3A_53 = arith.constant 32768 : i32
    %mul3A_54 = arith.muli %add3A_52, %mul3A_53 : i32
    %lt3A = vector.broadcast %mul3A_54 : i32 to vector<16xi32>
    %lt3A_55 = arith.cmpi slt, %get3A_47, %lt3A : vector<16xi32>
    %and3A = arith.andi %ge3A_50, %lt3A_55 : vector<16xi1>
    %mul3A_56 = arith.constant 64 : i32
    %mul3A_57 = arith.muli %arg1, %mul3A_56 : i32
    %add3A_58 = arith.constant 32768 : i32
    %add3A_59 = arith.addi %add3A_58, %mul3A_57 : i32
    %add3A_60 = arith.constant 0 : i32
    %add3A_61 = arith.addi %add3A_59, %add3A_60 : i32
    %add3A_62 = vector.broadcast %add3A_61 : i32 to vector<16xi32>
    %add3A_63 = arith.addi %add3A_62, %iota3A : vector<16xi32>
    %mul3A_64 = arith.constant 32768 : i32
    %mul3A_65 = arith.muli %arg0, %mul3A_64 : i32
    %sub3A = vector.broadcast %mul3A_65 : i32 to vector<16xi32>
    %sub3A_66 = arith.subi %get3A_47, %sub3A : vector<16xi32>
    %select_n3A = arith.select %and3A, %sub3A_66, %add3A_63 : vector<16xi1>, vector<16xi32>
    %swap3A = arith.constant 0 : index
    %swap3A_67 = tpu.vector_load %arg23[%swap3A] {strides = array<i32>} : memref<64xi32, #tpu.memory_space<vmem>>, vector<16xi32>,
    %swap3A_68 = vector.shape_cast %swap3A_67 : vector<16xi32> to vector<16xi32>
    %swap3A_69 = vector.shape_cast %select_n3A : vector<16xi32> to vector<16xi32>
    tpu.vector_store %arg23[%swap3A], %swap3A_69 {strides = array<i32>} : memref<64xi32, #tpu.memory_space<vmem>>, vector<16xi32>,
    %get3A_70 = arith.constant 16 : index
    %get3A_71 = tpu.vector_load %arg22[%get3A_70] {strides = array<i32>} : memref<64xi32, #tpu.memory_space<vmem>>, vector<16xi32>,
    %get3A_72 = vector.shape_cast %get3A_71 : vector<16xi32> to vector<16xi32>
    %mul3A_73 = arith.constant 32768 : i32
    %mul3A_74 = arith.muli %arg0, %mul3A_73 : i32
    %ge3A_75 = vector.broadcast %mul3A_74 : i32 to vector<16xi32>
    %ge3A_76 = arith.cmpi sge, %get3A_72, %ge3A_75 : vector<16xi32>
    %add3A_77 = arith.constant 1 : i32
    %add3A_78 = arith.addi %arg0, %add3A_77 : i32
    %mul3A_79 = arith.constant 32768 : i32
    %mul3A_80 = arith.muli %add3A_78, %mul3A_79 : i32
    %lt3A_81 = vector.broadcast %mul3A_80 : i32 to vector<16xi32>
    %lt3A_82 = arith.cmpi slt, %get3A_72, %lt3A_81 : vector<16xi32>
    %and3A_83 = arith.andi %ge3A_76, %lt3A_82 : vector<16xi1>
    %mul3A_84 = arith.constant 64 : i32
    %mul3A_85 = arith.muli %arg1, %mul3A_84 : i32
    %add3A_86 = arith.constant 32768 : i32
    %add3A_87 = arith.addi %add3A_86, %mul3A_85 : i32
    %add3A_88 = arith.constant 16 : i32
    %add3A_89 = arith.addi %add3A_87, %add3A_88 : i32
    %add3A_90 = vector.broadcast %add3A_89 : i32 to vector<16xi32>
    %add3A_91 = arith.addi %add3A_90, %iota3A : vector<16xi32>
    %mul3A_92 = arith.constant 32768 : i32
    %mul3A_93 = arith.muli %arg0, %mul3A_92 : i32
    %sub3A_94 = vector.broadcast %mul3A_93 : i32 to vector<16xi32>
    %sub3A_95 = arith.subi %get3A_72, %sub3A_94 : vector<16xi32>
    %select_n3A_96 = arith.select %and3A_83, %sub3A_95, %add3A_91 : vector<16xi1>, vector<16xi32>
    %swap3A_97 = arith.constant 16 : index
    %swap3A_98 = tpu.vector_load %arg23[%swap3A_97] {strides = array<i32>} : memref<64xi32, #tpu.memory_space<vmem>>, vector<16xi32>,
    %swap3A_99 = vector.shape_cast %swap3A_98 : vector<16xi32> to vector<16xi32>
    %swap3A_100 = vector.shape_cast %select_n3A_96 : vector<16xi32> to vector<16xi32>
    tpu.vector_store %arg23[%swap3A_97], %swap3A_100 {strides = array<i32>} : memref<64xi32, #tpu.memory_space<vmem>>, vector<16xi32>,
    %get3A_101 = arith.constant 32 : index
    %get3A_102 = tpu.vector_load %arg22[%get3A_101] {strides = array<i32>} : memref<64xi32, #tpu.memory_space<vmem>>, vector<16xi32>,
    %get3A_103 = vector.shape_cast %get3A_102 : vector<16xi32> to vector<16xi32>
    %mul3A_104 = arith.constant 32768 : i32
    %mul3A_105 = arith.muli %arg0, %mul3A_104 : i32
    %ge3A_106 = vector.broadcast %mul3A_105 : i32 to vector<16xi32>
    %ge3A_107 = arith.cmpi sge, %get3A_103, %ge3A_106 : vector<16xi32>
    %add3A_108 = arith.constant 1 : i32
    %add3A_109 = arith.addi %arg0, %add3A_108 : i32
    %mul3A_110 = arith.constant 32768 : i32
    %mul3A_111 = arith.muli %add3A_109, %mul3A_110 : i32
    %lt3A_112 = vector.broadcast %mul3A_111 : i32 to vector<16xi32>
    %lt3A_113 = arith.cmpi slt, %get3A_103, %lt3A_112 : vector<16xi32>
    %and3A_114 = arith.andi %ge3A_107, %lt3A_113 : vector<16xi1>
    %mul3A_115 = arith.constant 64 : i32
    %mul3A_116 = arith.muli %arg1, %mul3A_115 : i32
    %add3A_117 = arith.constant 32768 : i32
    %add3A_118 = arith.addi %add3A_117, %mul3A_116 : i32
    %add3A_119 = arith.constant 32 : i32
    %add3A_120 = arith.addi %add3A_118, %add3A_119 : i32
    %add3A_121 = vector.broadcast %add3A_120 : i32 to vector<16xi32>
    %add3A_122 = arith.addi %add3A_121, %iota3A : vector<16xi32>
    %mul3A_123 = arith.constant 32768 : i32
    %mul3A_124 = arith.muli %arg0, %mul3A_123 : i32
    %sub3A_125 = vector.broadcast %mul3A_124 : i32 to vector<16xi32>
    %sub3A_126 = arith.subi %get3A_103, %sub3A_125 : vector<16xi32>
    %select_n3A_127 = arith.select %and3A_114, %sub3A_126, %add3A_122 : vector<16xi1>, vector<16xi32>
    %swap3A_128 = arith.constant 32 : index
    %swap3A_129 = tpu.vector_load %arg23[%swap3A_128] {strides = array<i32>} : memref<64xi32, #tpu.memory_space<vmem>>, vector<16xi32>,
    %swap3A_130 = vector.shape_cast %swap3A_129 : vector<16xi32> to vector<16xi32>
    %swap3A_131 = vector.shape_cast %select_n3A_127 : vector<16xi32> to vector<16xi32>
    tpu.vector_store %arg23[%swap3A_128], %swap3A_131 {strides = array<i32>} : memref<64xi32, #tpu.memory_space<vmem>>, vector<16xi32>,
    %get3A_132 = arith.constant 48 : index
    %get3A_133 = tpu.vector_load %arg22[%get3A_132] {strides = array<i32>} : memref<64xi32, #tpu.memory_space<vmem>>, vector<16xi32>,
    %get3A_134 = vector.shape_cast %get3A_133 : vector<16xi32> to vector<16xi32>
    %mul3A_135 = arith.constant 32768 : i32
    %mul3A_136 = arith.muli %arg0, %mul3A_135 : i32
    %ge3A_137 = vector.broadcast %mul3A_136 : i32 to vector<16xi32>
    %ge3A_138 = arith.cmpi sge, %get3A_134, %ge3A_137 : vector<16xi32>
    %add3A_139 = arith.constant 1 : i32
    %add3A_140 = arith.addi %arg0, %add3A_139 : i32
    %mul3A_141 = arith.constant 32768 : i32
    %mul3A_142 = arith.muli %add3A_140, %mul3A_141 : i32
    %lt3A_143 = vector.broadcast %mul3A_142 : i32 to vector<16xi32>
    %lt3A_144 = arith.cmpi slt, %get3A_134, %lt3A_143 : vector<16xi32>
    %and3A_145 = arith.andi %ge3A_138, %lt3A_144 : vector<16xi1>
    %mul3A_146 = arith.constant 64 : i32
    %mul3A_147 = arith.muli %arg1, %mul3A_146 : i32
    %add3A_148 = arith.constant 32768 : i32
    %add3A_149 = arith.addi %add3A_148, %mul3A_147 : i32
    %add3A_150 = arith.constant 48 : i32
    %add3A_151 = arith.addi %add3A_149, %add3A_150 : i32
    %add3A_152 = vector.broadcast %add3A_151 : i32 to vector<16xi32>
    %add3A_153 = arith.addi %add3A_152, %iota3A : vector<16xi32>
    %mul3A_154 = arith.constant 32768 : i32
    %mul3A_155 = arith.muli %arg0, %mul3A_154 : i32
    %sub3A_156 = vector.broadcast %mul3A_155 : i32 to vector<16xi32>
    %sub3A_157 = arith.subi %get3A_134, %sub3A_156 : vector<16xi32>
    %select_n3A_158 = arith.select %and3A_145, %sub3A_157, %add3A_153 : vector<16xi1>, vector<16xi32>
    %swap3A_159 = arith.constant 48 : index
    %swap3A_160 = tpu.vector_load %arg23[%swap3A_159] {strides = array<i32>} : memref<64xi32, #tpu.memory_space<vmem>>, vector<16xi32>,
    %swap3A_161 = vector.shape_cast %swap3A_160 : vector<16xi32> to vector<16xi32>
    %swap3A_162 = vector.shape_cast %select_n3A_158 : vector<16xi32> to vector<16xi32>
    tpu.vector_store %arg23[%swap3A_159], %swap3A_162 {strides = array<i32>} : memref<64xi32, #tpu.memory_space<vmem>>, vector<16xi32>,
    %dma_wait3A_163 = tpu.memref_slice %arg3[%add3A_7] : memref<65536xf32, #tpu.memory_space<hbm>> -> memref<2048xf32, #tpu.memory_space<hbm>>
    %dma_wait3A_164 = tpu.memref_slice %arg3[%add3A_7] : memref<65536xf32, #tpu.memory_space<hbm>> -> memref<2048xf32, #tpu.memory_space<hbm>>
    tpu.wait_dma2 semaphore(%arg31 : memref<!tpu.dma_semaphore, #tpu.memory_space<semaphore_mem>>) src(%dma_wait3A_164 : memref<2048xf32, #tpu.memory_space<hbm>>) dst(%arg21 : memref<2048xf32, #tpu.memory_space<vmem>>)
    %mul3A_165 = arith.constant 2048 : i32
    %mul3A_166 = arith.muli %arg1, %mul3A_165 : i32
    "tpu.region"() ({
      %run_scoped3A = tpu.sem_alloc : memref<!tpu.dma_semaphore, #tpu.memory_space<semaphore_mem>>
      %dma_start3A_206 = tpu.memref_slice %arg25[%mul3A_166] : memref<33792xf32, #tpu.memory_space<vmem_shared>> -> memref<2048xf32, #tpu.memory_space<vmem_shared>>
      %dma_start3A_207 = tpu.memref_slice %arg25[%mul3A_166] : memref<33792xf32, #tpu.memory_space<vmem_shared>> -> memref<2048xf32, #tpu.memory_space<vmem_shared>>
      tpu.enqueue_dma source(%arg21 : memref<2048xf32, #tpu.memory_space<vmem>>) target(%dma_start3A_207 : memref<2048xf32, #tpu.memory_space<vmem_shared>>) target_semaphore(%run_scoped3A : memref<!tpu.dma_semaphore, #tpu.memory_space<semaphore_mem>>)
      %dma_wait3A_208 = tpu.memref_slice %arg25[%mul3A_166] : memref<33792xf32, #tpu.memory_space<vmem_shared>> -> memref<2048xf32, #tpu.memory_space<vmem_shared>>
      %dma_wait3A_209 = tpu.memref_slice %arg25[%mul3A_166] : memref<33792xf32, #tpu.memory_space<vmem_shared>> -> memref<2048xf32, #tpu.memory_space<vmem_shared>>
      tpu.wait_dma2 semaphore(%run_scoped3A : memref<!tpu.dma_semaphore, #tpu.memory_space<semaphore_mem>>) src(%arg21 : memref<2048xf32, #tpu.memory_space<vmem>>) dst(%dma_wait3A_209 : memref<2048xf32, #tpu.memory_space<vmem_shared>>)
      tpu.yield
    }) : () -> ()
    %barrier3A = arith.constant 0 : index
    tpu.barrier barrier_id(%barrier3A)
    %dma_wait3A_167 = tpu.memref_slice %arg5[%mul3A_9] : memref<1024xf32, #tpu.memory_space<hbm>> -> memref<64xf32, #tpu.memory_space<hbm>>
    %dma_wait3A_168 = tpu.memref_slice %arg5[%mul3A_9] : memref<1024xf32, #tpu.memory_space<hbm>> -> memref<64xf32, #tpu.memory_space<hbm>>
    tpu.wait_dma2 semaphore(%arg29 : memref<!tpu.dma_semaphore, #tpu.memory_space<semaphore_mem>>) src(%dma_wait3A_168 : memref<64xf32, #tpu.memory_space<hbm>>) dst(%arg24 : memref<64xf32, #tpu.memory_space<vmem>>)
    %dma_start3A_169 = arith.constant 0 : i32
    %dma_start3A_170 = tpu.memref_slice %arg25[%dma_start3A_169] : memref<33792xf32, #tpu.memory_space<vmem_shared>> -> memref<33792xf32, #tpu.memory_space<vmem_shared>>
    tpu.enqueue_indirect_dma source(%arg24 : memref<64xf32, #tpu.memory_space<vmem>>) target(%dma_start3A_170 : memref<33792xf32, #tpu.memory_space<vmem_shared>>) offsets(%arg23 : memref<64xi32, #tpu.memory_space<vmem>>) semaphore(%arg29 : memref<!tpu.dma_semaphore, #tpu.memory_space<semaphore_mem>>)
    %dma_wait3A_171 = arith.constant 0 : i32
    %dma_wait3A_172 = tpu.memref_slice %arg25[%dma_wait3A_171] : memref<33792xf32, #tpu.memory_space<vmem_shared>> -> memref<33792xf32, #tpu.memory_space<vmem_shared>>
    tpu.wait_indirect_dma semaphore(%arg29 : memref<!tpu.dma_semaphore, #tpu.memory_space<semaphore_mem>>) src(%arg24 : memref<64xf32, #tpu.memory_space<vmem>>) dst(%dma_wait3A_172 : memref<33792xf32, #tpu.memory_space<vmem_shared>>)
    %barrier3A_173 = arith.constant 0 : index
    tpu.barrier barrier_id(%barrier3A_173)
    %mul3A_174 = arith.constant 2048 : i32
    %mul3A_175 = arith.muli %arg1, %mul3A_174 : i32
    %dma_start3A_176 = tpu.memref_slice %arg13[%add3A_7] : memref<65536xf32, #tpu.memory_space<hbm>> -> memref<2048xf32, #tpu.memory_space<hbm>>
    %dma_start3A_177 = tpu.memref_slice %arg25[%mul3A_175] : memref<33792xf32, #tpu.memory_space<vmem_shared>> -> memref<2048xf32, #tpu.memory_space<vmem_shared>>
    tpu.enqueue_dma source(%dma_start3A_177 : memref<2048xf32, #tpu.memory_space<vmem_shared>>) target(%dma_start3A_176 : memref<2048xf32, #tpu.memory_space<hbm>>) target_semaphore(%arg31 : memref<!tpu.dma_semaphore, #tpu.memory_space<semaphore_mem>>)
    %dma_wait3A_178 = arith.constant 0 : i32
    %dma_wait3A_179 = arith.constant 0 : i32
    %dma_wait3A_180 = tpu.memref_slice %arg2[%dma_wait3A_178, %dma_wait3A_179] : memref<65536x1024xf32, #tpu.memory_space<hbm>> -> memref<65536x1024xf32, #tpu.memory_space<hbm>>
    tpu.wait_indirect_dma semaphore(%arg26 : memref<!tpu.dma_semaphore, #tpu.memory_space<semaphore_mem>>) src(%dma_wait3A_180 : memref<65536x1024xf32, #tpu.memory_space<hbm>>) dst(%arg18 : memref<16x1024xf32, #tpu.memory_space<vmem>>)
    %dma_wait3A_181 = tpu.memref_slice %arg9[%mul3A_2] : memref<512xi32, #tpu.memory_space<hbm>> -> memref<16xi32, #tpu.memory_space<hbm>>
    %dma_wait3A_182 = tpu.memref_slice %arg9[%mul3A_2] : memref<512xi32, #tpu.memory_space<hbm>> -> memref<16xi32, #tpu.memory_space<hbm>>
    tpu.wait_dma2 semaphore(%arg28 : memref<!tpu.dma_semaphore, #tpu.memory_space<semaphore_mem>>) src(%dma_wait3A_182 : memref<16xi32, #tpu.memory_space<hbm>>) dst(%arg16 : memref<16xi32, #tpu.memory_space<vmem>>)
    %dma_start3A_183 = arith.constant 0 : i32
    %dma_start3A_184 = arith.constant 0 : i32
    %dma_start3A_185 = tpu.memref_slice %arg12[%dma_start3A_183, %dma_start3A_184] : memref<1040x1024xf32, #tpu.memory_space<hbm>> -> memref<1040x1024xf32, #tpu.memory_space<hbm>>
    tpu.enqueue_indirect_dma source(%arg18 : memref<16x1024xf32, #tpu.memory_space<vmem>>) target(%dma_start3A_185 : memref<1040x1024xf32, #tpu.memory_space<hbm>>) offsets(%arg16 : memref<16xi32, #tpu.memory_space<vmem>>) semaphore(%arg26 : memref<!tpu.dma_semaphore, #tpu.memory_space<semaphore_mem>>)
    %dma_wait3A_186 = arith.constant 0 : i32
    %dma_wait3A_187 = arith.constant 0 : i32
    %dma_wait3A_188 = tpu.memref_slice %arg4[%dma_wait3A_186, %dma_wait3A_187] : memref<1024x1024xf32, #tpu.memory_space<hbm>> -> memref<1024x1024xf32, #tpu.memory_space<hbm>>
    tpu.wait_indirect_dma semaphore(%arg27 : memref<!tpu.dma_semaphore, #tpu.memory_space<semaphore_mem>>) src(%dma_wait3A_188 : memref<1024x1024xf32, #tpu.memory_space<hbm>>) dst(%arg19 : memref<16x1024xf32, #tpu.memory_space<vmem>>)
    %dma_wait3A_189 = tpu.memref_slice %arg10[%mul3A_2] : memref<512xi32, #tpu.memory_space<hbm>> -> memref<16xi32, #tpu.memory_space<hbm>>
    %dma_wait3A_190 = tpu.memref_slice %arg10[%mul3A_2] : memref<512xi32, #tpu.memory_space<hbm>> -> memref<16xi32, #tpu.memory_space<hbm>>
    tpu.wait_dma2 semaphore(%arg29 : memref<!tpu.dma_semaphore, #tpu.memory_space<semaphore_mem>>) src(%dma_wait3A_190 : memref<16xi32, #tpu.memory_space<hbm>>) dst(%arg17 : memref<16xi32, #tpu.memory_space<vmem>>)
    %dma_start3A_191 = arith.constant 0 : i32
    %dma_start3A_192 = arith.constant 0 : i32
    %dma_start3A_193 = tpu.memref_slice %arg12[%dma_start3A_191, %dma_start3A_192] : memref<1040x1024xf32, #tpu.memory_space<hbm>> -> memref<1040x1024xf32, #tpu.memory_space<hbm>>
    tpu.enqueue_indirect_dma source(%arg19 : memref<16x1024xf32, #tpu.memory_space<vmem>>) target(%dma_start3A_193 : memref<1040x1024xf32, #tpu.memory_space<hbm>>) offsets(%arg17 : memref<16xi32, #tpu.memory_space<vmem>>) semaphore(%arg27 : memref<!tpu.dma_semaphore, #tpu.memory_space<semaphore_mem>>)
    %dma_wait3A_194 = arith.constant 0 : i32
    %dma_wait3A_195 = tpu.memref_slice %arg12[%mul3A_2, %dma_wait3A_194] : memref<1040x1024xf32, #tpu.memory_space<hbm>> -> memref<16x1024xf32, #tpu.memory_space<hbm>>
    %dma_wait3A_196 = arith.constant 0 : i32
    %dma_wait3A_197 = tpu.memref_slice %arg12[%mul3A_2, %dma_wait3A_196] : memref<1040x1024xf32, #tpu.memory_space<hbm>> -> memref<16x1024xf32, #tpu.memory_space<hbm>>
    tpu.wait_dma2 semaphore(%arg30 : memref<!tpu.dma_semaphore, #tpu.memory_space<semaphore_mem>>) src(%arg20 : memref<16x1024xf32, #tpu.memory_space<vmem>>) dst(%dma_wait3A_197 : memref<16x1024xf32, #tpu.memory_space<hbm>>)
    %dma_wait3A_198 = tpu.memref_slice %arg13[%add3A_7] : memref<65536xf32, #tpu.memory_space<hbm>> -> memref<2048xf32, #tpu.memory_space<hbm>>
    %dma_wait3A_199 = tpu.memref_slice %arg25[%mul3A_175] : memref<33792xf32, #tpu.memory_space<vmem_shared>> -> memref<2048xf32, #tpu.memory_space<vmem_shared>>
    tpu.wait_dma2 semaphore(%arg31 : memref<!tpu.dma_semaphore, #tpu.memory_space<semaphore_mem>>) src(%dma_wait3A_199 : memref<2048xf32, #tpu.memory_space<vmem_shared>>) dst(%dma_wait3A_198 : memref<2048xf32, #tpu.memory_space<hbm>>)
    %dma_wait3A_200 = arith.constant 0 : i32
    %dma_wait3A_201 = arith.constant 0 : i32
    %dma_wait3A_202 = tpu.memref_slice %arg12[%dma_wait3A_200, %dma_wait3A_201] : memref<1040x1024xf32, #tpu.memory_space<hbm>> -> memref<1040x1024xf32, #tpu.memory_space<hbm>>
    tpu.wait_indirect_dma semaphore(%arg26 : memref<!tpu.dma_semaphore, #tpu.memory_space<semaphore_mem>>) src(%arg18 : memref<16x1024xf32, #tpu.memory_space<vmem>>) dst(%dma_wait3A_202 : memref<1040x1024xf32, #tpu.memory_space<hbm>>)
    %dma_wait3A_203 = arith.constant 0 : i32
    %dma_wait3A_204 = arith.constant 0 : i32
    %dma_wait3A_205 = tpu.memref_slice %arg12[%dma_wait3A_203, %dma_wait3A_204] : memref<1040x1024xf32, #tpu.memory_space<hbm>> -> memref<1040x1024xf32, #tpu.memory_space<hbm>>
    tpu.wait_indirect_dma semaphore(%arg27 : memref<!tpu.dma_semaphore, #tpu.memory_space<semaphore_mem>>) src(%arg19 : memref<16x1024xf32, #tpu.memory_space<vmem>>) dst(%dma_wait3A_205 : memref<1040x1024xf32, #tpu.memory_space<hbm>>)
    return
  }
}

module attributes {stable_mosaic.version = 14 : i64} {
  func.func @_prep_body(%arg0: memref<512x1xi32, #tpu.memory_space<vmem>>, %arg1: memref<1x1024xi32, #tpu.memory_space<vmem>>, %arg2: memref<1024x1xi32, #tpu.memory_space<vmem>>, %arg3: memref<512x1xi32, #tpu.memory_space<vmem>>, %arg4: memref<512x1xi32, #tpu.memory_space<vmem>>, %arg5: memref<512x1xi32, #tpu.memory_space<vmem>>, %arg6: memref<1024x1xi32, #tpu.memory_space<vmem>>) attributes {dimension_semantics = [], scalar_prefetch = 0 : i64, scratch_operands = 0 : i64, tpu.core_type = #tpu.core_type<tc>} {
    %get3A = arith.constant 0 : index
    %get3A_0 = arith.constant 0 : index
    %get3A_1 = vector.load %arg0[%get3A, %get3A_0] : memref<512x1xi32, #tpu.memory_space<vmem>>, vector<512x1xi32>
    %get3A_2 = arith.constant 0 : index
    %get3A_3 = arith.constant 0 : index
    %get3A_4 = vector.load %arg1[%get3A_2, %get3A_3] : memref<1x1024xi32, #tpu.memory_space<vmem>>, vector<1x1024xi32>
    %get3A_5 = arith.constant 0 : index
    %get3A_6 = arith.constant 0 : index
    %get3A_7 = vector.load %arg2[%get3A_5, %get3A_6] : memref<1024x1xi32, #tpu.memory_space<vmem>>, vector<1024x1xi32>
    %eq3A = vector.broadcast %get3A_1 : vector<512x1xi32> to vector<512x1024xi32>
    %eq3A_8 = vector.broadcast %get3A_4 : vector<1x1024xi32> to vector<512x1024xi32>
    %eq3A_9 = arith.cmpi eq, %eq3A, %eq3A_8 : vector<512x1024xi32>
    %iota3A = tpu.iota {dimensions = array<i32: 1>} : vector<512x1024xi32>
    %jit3A = arith.constant -1 : i32
    %broadcast_in_dim3A = vector.broadcast %jit3A : i32 to vector<512x1024xi32>
    %select_n3A = arith.select %eq3A_9, %iota3A, %broadcast_in_dim3A : vector<512x1024xi1>, vector<512x1024xi32>
    %reduce_max3A = arith.constant dense<-2147483648> : vector<512xi32>
    %reduce_max3A_10 = vector.multi_reduction <maxsi>, %select_n3A, %reduce_max3A [1] : vector<512x1024xi32> to vector<512xi32>
    %broadcast_in_dim3A_11 = vector.shape_cast %reduce_max3A_10 : vector<512xi32> to vector<512x1xi32>
    %iota3A_12 = tpu.iota {dimensions = array<i32: 0>} : vector<512x1xi32>
    %ge3A = arith.constant 0 : i32
    %ge3A_13 = vector.broadcast %ge3A : i32 to vector<512x1xi32>
    %ge3A_14 = arith.cmpi sge, %broadcast_in_dim3A_11, %ge3A_13 : vector<512x1xi32>
    %select_n3A_15 = arith.select %ge3A_14, %broadcast_in_dim3A_11, %iota3A_12 : vector<512x1xi1>, vector<512x1xi32>
    %swap3A = arith.constant 0 : index
    %swap3A_16 = arith.constant 0 : index
    %swap3A_17 = vector.load %arg3[%swap3A, %swap3A_16] : memref<512x1xi32, #tpu.memory_space<vmem>>, vector<512x1xi32>
    tpu.vector_store %arg3[%swap3A, %swap3A_16], %select_n3A_15 {strides = array<i32>} : memref<512x1xi32, #tpu.memory_space<vmem>>, vector<512x1xi32>,
    %and3A = arith.constant 15 : i32
    %and3A_18 = vector.broadcast %and3A : i32 to vector<512x1xi32>
    %and3A_19 = arith.andi %iota3A_12, %and3A_18 : vector<512x1xi32>
    %add3A = arith.constant 1024 : i32
    %add3A_20 = vector.broadcast %add3A : i32 to vector<512x1xi32>
    %add3A_21 = arith.addi %add3A_20, %and3A_19 : vector<512x1xi32>
    %add3A_22 = arith.constant 512 : i32
    %add3A_23 = vector.broadcast %add3A_22 : i32 to vector<512x1xi32>
    %add3A_24 = arith.addi %add3A_23, %iota3A_12 : vector<512x1xi32>
    %ge3A_25 = arith.constant 0 : i32
    %ge3A_26 = vector.broadcast %ge3A_25 : i32 to vector<512x1xi32>
    %ge3A_27 = arith.cmpi sge, %broadcast_in_dim3A_11, %ge3A_26 : vector<512x1xi32>
    %select_n3A_28 = arith.select %ge3A_27, %add3A_21, %add3A_24 : vector<512x1xi1>, vector<512x1xi32>
    %swap3A_29 = arith.constant 0 : index
    %swap3A_30 = arith.constant 0 : index
    %swap3A_31 = vector.load %arg4[%swap3A_29, %swap3A_30] : memref<512x1xi32, #tpu.memory_space<vmem>>, vector<512x1xi32>
    tpu.vector_store %arg4[%swap3A_29, %swap3A_30], %select_n3A_28 {strides = array<i32>} : memref<512x1xi32, #tpu.memory_space<vmem>>, vector<512x1xi32>,
    %select_n3A_32 = arith.select %ge3A_27, %add3A_24, %add3A_21 : vector<512x1xi1>, vector<512x1xi32>
    %swap3A_33 = arith.constant 0 : index
    %swap3A_34 = arith.constant 0 : index
    %swap3A_35 = vector.load %arg5[%swap3A_33, %swap3A_34] : memref<512x1xi32, #tpu.memory_space<vmem>>, vector<512x1xi32>
    tpu.vector_store %arg5[%swap3A_33, %swap3A_34], %select_n3A_32 {strides = array<i32>} : memref<512x1xi32, #tpu.memory_space<vmem>>, vector<512x1xi32>,
    %eq3A_36 = vector.broadcast %get3A_7 : vector<1024x1xi32> to vector<1024x1024xi32>
    %eq3A_37 = vector.broadcast %get3A_4 : vector<1x1024xi32> to vector<1024x1024xi32>
    %eq3A_38 = arith.cmpi eq, %eq3A_36, %eq3A_37 : vector<1024x1024xi32>
    %iota3A_39 = tpu.iota {dimensions = array<i32: 1>} : vector<1024x1024xi32>
    %jit3A_40 = arith.constant -1 : i32
    %broadcast_in_dim3A_41 = vector.broadcast %jit3A_40 : i32 to vector<1024x1024xi32>
    %select_n3A_42 = arith.select %eq3A_38, %iota3A_39, %broadcast_in_dim3A_41 : vector<1024x1024xi1>, vector<1024x1024xi32>
    %reduce_max3A_43 = arith.constant dense<-2147483648> : vector<1024xi32>
    %reduce_max3A_44 = vector.multi_reduction <maxsi>, %select_n3A_42, %reduce_max3A_43 [1] : vector<1024x1024xi32> to vector<1024xi32>
    %broadcast_in_dim3A_45 = vector.shape_cast %reduce_max3A_44 : vector<1024xi32> to vector<1024x1xi32>
    %iota3A_46 = tpu.iota {dimensions = array<i32: 0>} : vector<1024x1xi32>
    %ne3A = arith.cmpi ne, %broadcast_in_dim3A_45, %iota3A_46 : vector<1024x1xi32>
    %add3A_47 = arith.constant 65536 : i32
    %add3A_48 = vector.broadcast %add3A_47 : i32 to vector<1024x1xi32>
    %add3A_49 = arith.addi %add3A_48, %iota3A_46 : vector<1024x1xi32>
    %select_n3A_50 = arith.select %ne3A, %add3A_49, %get3A_7 : vector<1024x1xi1>, vector<1024x1xi32>
    %swap3A_51 = arith.constant 0 : index
    %swap3A_52 = arith.constant 0 : index
    %swap3A_53 = vector.load %arg6[%swap3A_51, %swap3A_52] : memref<1024x1xi32, #tpu.memory_space<vmem>>, vector<1024x1xi32>
    tpu.vector_store %arg6[%swap3A_51, %swap3A_52], %select_n3A_50 {strides = array<i32>} : memref<1024x1xi32, #tpu.memory_space<vmem>>, vector<1024x1xi32>,
    return
  }
}

</mosaic_0001>

<sc_bundles>
// kernel: kernel.4.cloned.1.call-start
scs
__scs_entry_jumppad:
0x0: {  	(pc) =	sbr.rel $0x88, $3  }
0x1: {  	(tag) =	ssettag $0x0;
	lr =	simm.s32 $0x1  }
0x2: {  	[smem:$0x3F9A] =	sst lr;
	_ =	strace $0xD0000000  }
0x3: {  	_ = 	snop  }
0x4: {  	_ = 	snop  }
0x5: {  	_ = 	snop  }
0x6: {  	_ = 	snop  }
0x7: {  	_ = 	snop  }
__scs_overlays_trampoline_lowered:
0x8: {  	[smem:$0x3FA9] =	sst s0  }
0x9: {  	[smem:$0x3FAA] =	sst s1  }
0xa: {  	[smem:$0x3FAB] =	sst s2  }
0xb: {  	[smem:$0x3FAC] =	sst s3  }
0xc: {  	[smem:$0x3FAD] =	sst s4  }
0xd: {  	[smem:$0x3FAE] =	sst s5  }
0xe: {  	[smem:$0x3FAF] =	sst s6  }
0xf: {  	[smem:$0x3FB0] =	sst s7  }
0x10: {  	[smem:$0x3FB1] =	sst s8  }
0x11: {  	[smem:$0x3FB2] =	sst s9;
	s0 =	simm.s32 @!p0 $0x0  }
0x12: {  	s1 =	sld [smem:$0x3F98];
	s0 =	simm.s32 @p0 $0x1  }
0x13: {  	[smem:$0x3FB3] =	sst s0;
	s0 =	simm.s32 @!p1 $0x0  }
0x14: {  	s2 =	sld [smem:$0x3F97];
	s0 =	simm.s32 @p1 $0x1  }
0x15: {  	[smem:$0x3FB4] =	sst s0;
	s0 =	simm.s32 @!p2 $0x0  }
0x16: {  	s3 =	sld [smem:$0x3FDB];
	s0 =	simm.s32 @p2 $0x1  }
0x17: {  	s4 =	simm.s32 $0x1BF5;
	[smem:$0x3FB6] =	sst s0  }
0x18: {  	s0 =	sld [smem:$0x3F99];
	_ =	swait.ge [sflag:s4], $0x0  }
0x19: {  	s7 =	sld [smem:$0x3F9A]  }
0x1a: {  	s8 =	sadd.s32 $0xFFFFE003, lr  }
0x1b: {  	s9 =	sadd.s32 $0xFFFFFEF7, lr;
	s5 =	simm.s32 $0xFFFFFFFF;
	p2 =	slt.u32 s8, $0xFFFFF086  }
0x1c: {  	p1 =	slt.u32 s9, $0xF7A;
	s5 =	simm.s32 @!p2 $0x0  }
0x1d: {  	s5 =	simm.s32 @p1 $0x1;
	p0 =	seq.s32 s7, s2  }
0x1e: {  	s7 =	smul.u32 @!p0 $0xF7A, s2;
	p2 =	seq.s32 @!p0 s5, $0x0  }
0x1f: {  	s9 =	smul.u32 $0xF7A, s1;
	s8 =	simm.s32 @!p0 $0x1BF5;
	p2 =	por !p2, p0  }
0x20: {  	[sflag:s8] =	ssyncset.s32 @!p0 $0xFFFFF086;
	s6 =	sadd.s32 @!p0 s3, s7;
	s7 =	simm.s32 @!p0 $0x108  }
0x21: {  	s3 =	sadd.s32 s3, s9;
	s6 =	sadd.s32 @!p0 $0x88, s6;
	s7 =	simm.s32 @p2 $0x1082  }
0x22: {  	[simem:s7], [sflag:s8] =	dma.local @!p0 [hbm:s6], $0xF7A  }
0x23: {  	s9 =	sor.u32 $0xD0000000, s2;
	s6 =	simm.s32 $0x108;
	_ =	swait.ge @!p0 [sflag:s8], $0x0  }
0x24: {  	s3 =	sadd.s32 $0x88, s3;
	s6 =	simm.s32 @!p1 $0x1082;
	[sflag:s4] =	ssyncset.s32 $0xFFFFF086  }
0x25: {  	[simem:s6], [sflag:s4] =	dma.local [hbm:s3], $0xF7A  }
0x26: {  	[smem:$0x3F9A] =	sst s1;
	(tag) =	ssettag s2;
	_ =	strace s9  }
0x27: {  	s1 =	sld [smem:$0x3FAA]  }
0x28: {  	s2 =	sld [smem:$0x3FAB]  }
0x29: {  	s4 =	sld [smem:$0x3FAD]  }
0x2a: {  	p0 =	seq.s32 s5, $0x0;
	s5 =	sld [smem:$0x3FAE]  }
0x2b: {  	s6 =	sld [smem:$0x3FAF]  }
0x2c: {  	s7 =	sld [smem:$0x3FB0]  }
0x2d: {  	s3 =	simm.s32 $0x108;
	s8 =	sld [smem:$0x3FB1]  }
0x2e: {  	s3 =	simm.s32 @!p0 $0x1082;
	s9 =	sld [smem:$0x3FB2]  }
0x2f: {  	lr =	sadd.s32 s0, s3;
	s0 =	sld [smem:$0x3FA9]  }
0x30: {  	s3 =	sld [smem:$0x3FAC]  }
0x31: {  	[smem:$0x3FB5] =	sst s10  }
0x32: {  	s10 =	sld [smem:$0x3FB3];
	_ =	sdelay $0x3  }
0x33: {  	p0 =	seq.s32 s10, $0x1;
	s10 =	sld [smem:$0x3FB5];
	_ =	sdelay $0x3  }
0x34: {  	[smem:$0x3FB5] =	sst s10  }
0x35: {  	s10 =	sld [smem:$0x3FB4];
	_ =	sdelay $0x3  }
0x36: {  	p1 =	seq.s32 s10, $0x1;
	s10 =	sld [smem:$0x3FB5];
	_ =	sdelay $0x3  }
0x37: {  	[smem:$0x3FB5] =	sst s10  }
0x38: {  	s10 =	sld [smem:$0x3FB6]  }
0x39: {  	_ = 	snop;
	(pc) =	sbr.ind lr, $3  }
0x3a: {  	_ = 	snop  }
0x3b: {  	_ = 	snop  }
0x3c: {  	p2 =	seq.s32 s10, $0x1;
	s10 =	sld [smem:$0x3FB5]  }
0x3d: {  	_ =	shalt  }
0x3e: {  	_ =	shalt  }
0x3f: {  	_ =	shalt  }
0x40: {  	_ =	shalt  }
0x41: {  	_ =	shalt  }
0x42: {  	_ =	shalt  }
0x43: {  	_ =	shalt  }
0x44: {  	_ =	shalt  }
0x45: {  	_ =	shalt  }
0x46: {  	_ =	shalt  }
0x47: {  	_ =	shalt  }
0x48: {  	_ =	shalt  }
0x49: {  	_ =	shalt  }
0x4a: {  	_ =	shalt  }
0x4b: {  	_ =	shalt  }
0x4c: {  	_ =	shalt  }
0x4d: {  	_ =	shalt  }
0x4e: {  	_ =	shalt  }
0x4f: {  	_ =	shalt  }
0x50: {  	_ =	shalt  }
0x51: {  	_ =	shalt  }
0x52: {  	_ =	shalt  }
0x53: {  	_ =	shalt  }
0x54: {  	_ =	shalt  }
0x55: {  	_ =	shalt  }
0x56: {  	_ =	shalt  }
0x57: {  	_ =	shalt  }
0x58: {  	_ =	shalt  }
0x59: {  	_ =	shalt  }
0x5a: {  	_ =	shalt  }
0x5b: {  	_ =	shalt  }
0x5c: {  	_ =	shalt  }
0x5d: {  	_ =	shalt  }
0x5e: {  	_ =	shalt  }
0x5f: {  	_ =	shalt  }
0x60: {  	_ =	shalt  }
0x61: {  	_ =	shalt  }
0x62: {  	_ =	shalt  }
0x63: {  	_ =	shalt  }
0x64: {  	_ =	shalt  }
0x65: {  	_ =	shalt  }
0x66: {  	_ =	shalt  }
0x67: {  	_ =	shalt  }
0x68: {  	_ =	shalt  }
0x69: {  	_ =	shalt  }
0x6a: {  	_ =	shalt  }
0x6b: {  	_ =	shalt  }
0x6c: {  	_ =	shalt  }
0x6d: {  	_ =	shalt  }
0x6e: {  	_ =	shalt  }
0x6f: {  	_ =	shalt  }
0x70: {  	_ =	shalt  }
0x71: {  	_ =	shalt  }
0x72: {  	_ =	shalt  }
0x73: {  	_ =	shalt  }
0x74: {  	_ =	shalt  }
0x75: {  	_ =	shalt  }
0x76: {  	_ =	shalt  }
0x77: {  	_ =	shalt  }
0x78: {  	_ =	shalt  }
0x79: {  	_ =	shalt  }
0x7a: {  	_ =	shalt  }
0x7b: {  	_ =	shalt  }
0x7c: {  	_ =	shalt  }
0x7d: {  	_ =	shalt  }
0x7e: {  	_ =	shalt  }
0x7f: {  	_ =	shalt  }
0x80: {  	_ =	shalt  }
0x81: {  	_ =	shalt  }
0x82: {  	_ =	shalt  }
0x83: {  	_ =	shalt  }
0x84: {  	_ =	shalt  }
0x85: {  	_ =	shalt  }
0x86: {  	_ =	shalt  }
0x87: {  	_ =	shalt  }
.Lfunc_end0:
.L_simem_size_0:
called_computation_lowered:
.L_overlay_start_0:
0x88: {  	s2 =	sld [smem:$0x3FD9]  }
0x89: {  	s3 =	sld [smem:$0x3FFE];
	_ =	sdelay $0x1  }
0x8a: {  	s1 =	srdreg.scid  }
0x8b: {  	s0 =	sand.u32 $0x1, s1  }
0x8c: {  	s14 =	sshll.u32 s0, $0xA;
	s2 =	sadd.s32 s3, s2  }
0x8d: {  	s2 =	sadd.s32 s2, s14  }
0x8e: {  	[smem:$0x3FC1] =	sst s2  }
0x8f: {  	_ = 	snop  }
0x90: {  	s2 =	sld [smem:$0x3FC9]  }
0x91: {  	s15 =	sld [smem:$0x3FC8]  }
0x92: {  	s4 =	sld [smem:$0x3FC7]  }
0x93: {  	s5 =	sld [smem:$0x3FD0]  }
0x94: {  	s6 =	sld [smem:$0x3FC6]  }
0x95: {  	s7 =	sld [smem:$0x3FC5]  }
0x96: {  	s9 =	simm.s32 $0xA;
	s10 =	simm.s32 $0x10;
	s8 =	sld [smem:$0x3FC3]  }
0x97: {  	[smem:s10], [sflag:s9] =	dma.local [hbm:s5], $0x1  }
0x98: {  	_ =	swait.eq [sflag:s9], $0x1  }
0x99: {  	[sflag:s9] =	ssyncset.done $0x0  }
0x9a: {  	s16 =	sld [smem:$0x10];
	[sflag:s9] =	ssyncadd.s32 $0xFFFFFFFF  }
0x9b: {  	s17 =	sld [smem:$0x11];
	(tm) =	ssettm $0x1  }
0x9c: {  	s18 =	sld [smem:$0x3FFB];
	_ =	sdelay $0x3  }
0x9d: {  	_ =	strace s18  }
0x9e: {  	s10 =	sld [smem:$0x3FFC];
	_ =	sdelay $0x3  }
0x9f: {  	_ =	strace s10  }
0xa0: {  	s10 =	sld [smem:$0x3FFD];
	_ =	sdelay $0x3  }
0xa1: {  	_ =	strace s10  }
0xa2: {  	_ =	strace $0x8FFFFFFF  }
0xa3: {  	s19 =	sld [smem:$0x3FDB];
	_ =	sdelay $0x1  }
0xa4: {  	s11 =	simm.s32 $_scs_section_size  }
0xa5: {  	s12 =	simm.s32 $_size__tile_overlayer_lowered;
	s13 =	simm.s32 $_tile_overlayer_lowered  }
0xa6: {  	s22 =	simm.s32 $0x1BFF;
	s21 =	sshll.u32 s13, $0x1;
	s10 =	sadd.s32 s11, s19  }
0xa7: {  	s20 =	sshll.u32 s12, $0x1;
	s14 =	simm.s32 $0x0;
	s12 =	sadd.s32 s21, s10  }
0xa8: {  	[timem:s14], [sflag:s22] =	dma.local [hbm:s12], s20  }
0xa9: {  	_ =	swait.ge [sflag:s22], s20  }
0xaa: {  	s11 =	ssub.s32 $0x0, s20;
	[sflag:s22] =	ssyncset.done $0x0  }
0xab: {  	[sflag:s22] =	ssyncadd.s32 s11;
	_ =	sdelay $0x1  }
0xac: {  	s23 =	simm.s32 $0x1B8B  }
0xad: {  	_ =	swait.ge [sflag:s23], $0x1  }
0xae: {  	[sflag:s23] =	ssyncset.done $0x0  }
0xaf: {  	s25 =	simm.s32 $0x1B8E;
	s24 =	sld [smem:$0x3FFE];
	[sflag:s23] =	ssyncadd.s32 $0xFFFFFFFF  }
0xb0: {  	s26 =	simm.s32 $execute0_lowered;
	[smem:$0x3FD2] =	sst s25  }
0xb1: {  	s12 =	sshll.u32 s26, $0x1;
	_ =	strace $0x80000046;
	[dreg:$0x1] =	wrdreg $0xFFFFFFFF  }
0xb2: {  	s28 =	simm.s32 $_size_execute0_lowered;
	s10 =	sadd.s32 s10, s12;
	[dreg:$0x0] =	wrdreg $0x0  }
0xb3: {  	s12 =	sshll.u32 s28, $0x1;
	[dreg:$0x2] =	wrdreg s10  }
0xb4: {  	[dreg:$0x3] =	wrdreg s12  }
0xb5: {  	[dreg:$0x4] =	wrdreg $0xC0  }
0xb6: {  	_ =	task [dreg:s14], $0x5FFFF  }
0xb7: {  	[dreg:$0x1] =	wrdreg $0xFFFFFFFF  }
0xb8: {  	[dreg:$0x0] =	wrdreg $0x60  }
0xb9: {  	[dreg:$0x2] =	wrdreg s2  }
0xba: {  	[dreg:$0x3] =	wrdreg s15  }
0xbb: {  	[dreg:$0x4] =	wrdreg s4  }
0xbc: {  	[dreg:$0x5] =	wrdreg s6  }
0xbd: {  	[dreg:$0x6] =	wrdreg s7  }
0xbe: {  	[dreg:$0x7] =	wrdreg s8  }
0xbf: {  	[dreg:$0x8] =	wrdreg s24  }
0xc0: {  	[dreg:$0x9] =	wrdreg s16  }
0xc1: {  	[dreg:$0xa] =	wrdreg s17  }
0xc2: {  	[dreg:$0xb] =	wrdreg $0xCB800  }
0xc3: {  	[dreg:$0xc] =	wrdreg $0x9  }
0xc4: {  	_ =	task.clear_ibuf [dreg:s14], $0xDFFFF;
	_ =	strace $0x90000046  }
0xc5: {  	s29 =	simm.s32 $0x9;
	_ =	strace $0x80000048  }
0xc6: {  	_ =	swait.ge [sflag:s29], $0x1  }
0xc7: {  	[sflag:s29] =	ssyncadd.s32 $0xFFFFFFFF  }
0xc8: {  	_ =	strace $0x90000048  }
0xc9: {  	_ =	sfence  }
0xca: {  	s30 =	sld [smem:$0x0];
	_ =	sdelay $0x2  }
0xcb: {  	s31 =	sshll.u32 s1, $0xD;
	s1 =	sshrl.u32 s1, $0x2  }
0xcc: {  	s3 =	sand.u32 $0x4000, s31;
	s1 =	sadd.s32 s1, s30  }
0xcd: {  	s0 =	sor.u32 s3, s0;
	s1 =	sshll.u32 s1, $0x11  }
0xce: {  	s0 =	sor.u32 s1, s0  }
0xcf: {  	s0 =	sadd.s32 $0x8F2B, s0  }
0xd0: {  	[sflag:s0] =	ssyncadd.remote.s32 $0x1  }
0xd1: {  	_ =	sfence.sel $0xFFFF  }
0xd2: {  	[dreg:$0x0] =	wrdreg $0xFFFFFFFF;
	(pc) =	sbr.abs _section_cstart, $3  }
0xd3: {  	[dreg:$0x1] =	wrdreg $0xFFFFFFFF  }
0xd4: {  	_ =	task.clear_ibuf [dreg:s14], $0x2FFFF;
	_ =	strace $0x9FFFFFFF  }
0xd5: {  	(tm) =	ssettm $0x7FFFFFFF  }
tec
execute0_lowered:
.L_overlay_start_1:
0x0: {  	(tag) =	ssettag $0x1  }
0x1: {  	s12 =	rddreg [dreg:$0x0]  }
0x2: {  	s2 =	rddreg [dreg:$0x1]  }
0x3: {  	s14 =	rddreg [dreg:$0x2]  }
0x4: {  	s3 =	rddreg [dreg:$0x3]  }
0x5: {  	s4 =	rddreg [dreg:$0x4]  }
0x6: {  	s7 =	rddreg [dreg:$0x5]  }
0x7: {  	s0 =	rddreg [dreg:$0x6]  }
0x8: {  	s8 =	rddreg [dreg:$0x7]  }
0x9: {  	s15 =	rddreg [dreg:$0x8]  }
0xa: {  	s18 =	rddreg [dreg:$0x9]  }
0xb: {  	s1 =	srdreg.scid;
	s5 =	simm.s32 $0x0;
	s13 =	stileid.u32  }
0xc: {  	s29 =	simm.s32 $0x4;
	s28 =	simm.s32 $0x2A00;
	s1 =	sand.u32 $0x1, s1  }
0xd: {  	[smem:$0x7FF] =	sst s5;
	s9 =	sshll.u32 s13, $0x5;
	s6 =	sadd.s32 $0x600, s0  }
0xe: {  	s16 =	sshll.u32 s13, $0xB;
	s23 =	sshll.u32 s13, $0x3;
	s10 =	sshll.u32 s1, $0x4  }
0xf: {  	_ =	strace $0x80000047;
	s30 =	ssub.s32 $0x2, s1;
	s1 =	sshll.u32 s1, $0xF  }
0x10: {  	s25 =	sadd.s32 s8, s23;
	s26 =	sadd.s32 s3, s23;
	s23 =	simm.s32 $0xCA00  }
0x11: {  	s3 =	simm.s32 $0x2;
	s9 =	sor.u32 s10, s9;
	[dreg:$0x10] =	wrdreg s25  }
0x12: {  	s31 =	sor.u32 s16, s1;
	s24 =	sshrl.u32 s30, $0x1;
	[dreg:$0x11] =	wrdreg s26  }
0x13: {  	s10 =	sadd.s32 $0x100, s14;
	s26 =	sadd.s32 s16, s18;
	[dreg:$0x17] =	wrdreg s23  }
0x14: {  	s16 =	sadd.s32 $0x700, s0;
	s11 =	sshrl.u32 s9, $0x3;
	[dreg:$0x1f] =	wrdreg s10  }
0x15: {  	s22 =	sshrl.u32 s31, $0x3;
	s31 =	sadd.s32 $0x100, s12;
	[smem:$0x7FD] =	sst s26  }
0x16: {  	s21 =	sshll.u32 s9, $0x7;
	s9 =	sadd.s32 $0x300, s12;
	[dreg:$0x1c] =	wrdreg s31  }
0x17: {  	s8 =	ssub.s32 s30, s24;
	s30 =	sshll.u32 s13, $0x6;
	[dreg:$0x1e] =	wrdreg s9  }
0x18: {  	s18 =	sadd.s32 $0x900, s0;
	s7 =	sadd.s32 s7, s11;
	[dreg:$0x1b] =	wrdreg s30  }
0x19: {  	s23 =	simm.s32 $0x1;
	s17 =	sadd.s32 s0, s11;
	[dreg:$0xb] =	wrdreg s7  }
0x1a: {  	s26 =	simm.s32 $0x6;
	s4 =	sadd.s32 s4, s21;
	[dreg:$0x1a] =	wrdreg s17  }
0x1b: {  	s2 =	sadd.s32 s2, s22;
	s11 =	sadd.s32 $0x200, s14;
	[dreg:$0xe] =	wrdreg s4  }
0x1c: {  	s13 =	sadd.s32 s6, s21;
	s21 =	sor.u32 $0x8000, s30;
	[dreg:$0xf] =	wrdreg s2  }
0x1d: {  	s24 =	sor.u32 $0x8020, s30;
	s25 =	sor.u32 $0x8030, s30;
	[smem:$0x7FB] =	sst s11  }
0x1e: {  	s31 =	simm.s32 $0xCA80;
	s9 =	simm.s32 $0x3200;
	[dreg:$0x12] =	wrdreg s13  }
0x1f: {  	s19 =	sadd.s32 $0x200, s17;
	s20 =	sadd.s32 $0x400, s17;
	[dreg:$0x19] =	wrdreg s31  }
0x20: {  	s4 =	sadd.s32 $0x200, s12;
	s12 =	sadd.s32 $0x300, s14;
	[dreg:$0xc] =	wrdreg s19  }
0x21: {  	s14 =	sadd.s32 s15, s22;
	s15 =	simm.s32 $0x80;
	[dreg:$0xd] =	wrdreg s20  }
0x22: {  	v8 =	vlaneseq.u32;
	s22 =	sor.u32 $0x8010, s30;
	s17 =	simm.s32 $0x100;
	[dreg:$0x1d] =	wrdreg s4  }
0x23: {  	s30 =	simm.s32 $0x40;
	v4 =	vor.u32 s24, v8;
	s24 =	simm.s32 $0x5;
	[smem:$0x7FC] =	sst s12  }
0x24: {  	v5 =	vor.u32 s25, v8;
	s25 =	simm.s32 $0x3;
	s7 =	simm.s32 $0x200;
	[dreg:$0x13] =	wrdreg s14  }
0x25: {  	v2 =	vor.u32 s21, v8;
	s21 =	simm.s32 $0x1A00;
	s13 =	simm.s32 $0x6A00;
	[dreg:$0x14] =	wrdreg s15  }
0x26: {  	s20 =	sadd.s32 $0x8000, s1;
	[dreg:$0x15] =	wrdreg s17;
	s19 =	simm.s32 $0x180  }
0x27: {  	vm0 =	vmmov $0xffff;
	v0 =	vmov s1;
	[dreg:$0x18] =	wrdreg s30;
	s17 =	sadd.s32 $0x800, s0;
	s1 =	simm.s32 $0xCB00  }
0x28: {  	v6 =	vand.u32 $0x7, v8;
	v7 =	vshrl.u32 v8, $0x3;
	v3 =	vor.u32 s22, v8;
	s22 =	simm.s32 $0x2200;
	s14 =	simm.s32 $0x7200;
	[dreg:$0x16] =	wrdreg s19  }
0x29: {  	v7 =	vmul.u32 $0x8, v7;
	v8 =	vor.u32 $0x8, v8;
	s19 =	smax.u32 s8, $0x1;
	v1 =	vmov s20;
	s8 =	simm.s32 $0xA00;
	s20 =	simm.s32 $0x1200  }
.LBB2_1:
0x2a: {  	s30 =	rddreg [dreg:$0xb]  }
0x2b: {  	s31 =	rddreg [dreg:$0x14]  }
0x2c: {  	s2 =	rddreg [dreg:$0x1a]  }
0x2d: {  	s11 =	rddreg [dreg:$0xc]  }
0x2e: {  	s12 =	rddreg [dreg:$0x15]  }
0x2f: {  	[tilespmem:s5], [sflag:$0x1] =	stream.linear.gather [hbm4b:s30+s5], $0x10, $0x38;
	[tilespmem:$0xD3C0] =	vst v63  }
0x30: {  	s15 =	rddreg [dreg:$0xd]  }
0x31: {  	[tilespmem:s31], [sflag:$0x2] =	stream.linear.gather [hbm4b:s2+s5], $0x10, $0x38;
	[tilespmem:$0xD3C0] =	vst v63  }
0x32: {  	s4 =	rddreg [dreg:$0x16]  }
0x33: {  	[tilespmem:s12], [sflag:$0x3] =	stream.linear.gather [hbm4b:s11+s5], $0x10, $0x38;
	[tilespmem:$0xD3C0] =	vst v63  }
0x34: {  	s0 =	rddreg [dreg:$0xe]  }
0x35: {  	[tilespmem:s4], [sflag:$0x4] =	stream.linear.gather [hbm4b:s15+s5], $0x10, $0x38;
	[tilespmem:$0xD3C0] =	vst v63  }
0x36: {  	s10 =	rddreg [dreg:$0xf];
	s31 =	simm.s32 $0x8200  }
0x37: {  	[tilespmem:s31], [sflag:$0x5] =	stream.linear.gather [hbm4b:s0+s5], $0x4000, $0x38;
	[tilespmem:$0xD3C0] =	vst v63  }
0x38: {  	s11 =	rddreg [dreg:$0x10];
	s0 =	simm.s32 $0xC200  }
0x39: {  	[tilespmem:s0], [sflag:$0x6] =	stream.linear.gather [hbm4b:s10+s5], $0x800, $0x38;
	[tilespmem:$0xD3C0] =	vst v63  }
0x3a: {  	s12 =	rddreg [dreg:$0x17]  }
0x3b: {  	[tilespmem:s12], [sflag:$0x3] =	stream.linear.gather [hbm4b:s11+s5], $0x40, $0x38;
	[tilespmem:$0xD3C0] =	vst v63  }
0x3c: {  	s15 =	rddreg [dreg:$0x11]  }
0x3d: {  	[tilespmem:s1], [sflag:$0x4] =	stream.linear.gather [hbm4b:s15+s5], $0x40, $0x38;
	[tilespmem:$0xD3C0] =	vst v63  }
0x3e: {  	_ =	swait.ge [sflag:s23], $0x10  }
0x3f: {  	[sflag:s23] =	ssyncset.done $0x0  }
0x40: {  	[sflag:s23] =	ssyncadd.s32 $0xFFFFFFF0  }
0x41: {  	v9 =	vld [tilespmem:$0x0];
	_ =	sdelay $0x4  }
0x42: {  	v10 =	vshll.u32 v9, $0x3  }
0x43: {  	v9 =	vand.u32 $0x7, v9;
	v10 =	vand.u32 $0xFFFFFFC0, v10  }
0x44: {  	v9 =	vor.u32 v9, v10  }
0x45: {  	v10 =	vperm.xlane v9, v6;
	_ =	sdelay $0x1  }
0x46: {  	v10 =	vadd.s32 v7, v10;
	_ =	sdelay $0x3  }
0x47: {  	s4 =	rddreg [dreg:$0x0]  }
0x48: {  	[tilespmem:s7], [sflag:$0x1] =	stream.indirect_vreg.gather [hbm4b:s4+s5], $0x80, v10, vm0, $0xb8;
	[tilespmem:$0xD3C0] =	vst v63  }
0x49: {  	s12 =	rddreg [dreg:$0x1c];
	v9 =	vperm.xlane v9, v8  }
0x4a: {  	[tilespmem:s8], [sflag:$0x1] =	stream.indirect_vreg.gather [hbm4b:s12+s5], $0x80, v10, vm0, $0xb8;
	[tilespmem:$0xD3C0] =	vst v63  }
0x4b: {  	s10 =	rddreg [dreg:$0x1d];
	v9 =	vadd.s32 v7, v9  }
0x4c: {  	[tilespmem:s20], [sflag:$0x1] =	stream.indirect_vreg.gather [hbm4b:s10+s5], $0x80, v10, vm0, $0xb8;
	[tilespmem:$0xD3C0] =	vst v63  }
0x4d: {  	s11 =	rddreg [dreg:$0x1e]  }
0x4e: {  	[tilespmem:s21], [sflag:$0x1] =	stream.indirect_vreg.gather [hbm4b:s11+s5], $0x80, v10, vm0, $0xb8;
	[tilespmem:$0xD3C0] =	vst v63  }
0x4f: {  	_ = 	snop  }
0x50: {  	[tilespmem:s22], [sflag:$0x1] =	stream.indirect_vreg.gather [hbm4b:s4+s5], $0x80, v9, vm0, $0xb8;
	[tilespmem:$0xD3C0] =	vst v63  }
0x51: {  	_ = 	snop  }
0x52: {  	[tilespmem:s28], [sflag:$0x1] =	stream.indirect_vreg.gather [hbm4b:s12+s5], $0x80, v9, vm0, $0xb8;
	[tilespmem:$0xD3C0] =	vst v63  }
0x53: {  	_ = 	snop  }
0x54: {  	[tilespmem:s9], [sflag:$0x1] =	stream.indirect_vreg.gather [hbm4b:s10+s5], $0x80, v9, vm0, $0xb8;
	[tilespmem:$0xD3C0] =	vst v63  }
0x55: {  	s10 =	simm.s32 $0x3A00  }
0x56: {  	[tilespmem:s10], [sflag:$0x1] =	stream.indirect_vreg.gather [hbm4b:s11+s5], $0x80, v9, vm0, $0xb8;
	[tilespmem:$0xD3C0] =	vst v63  }
0x57: {  	_ =	swait.ge [sflag:s3], $0x10  }
0x58: {  	[sflag:s3] =	ssyncset.done $0x0  }
0x59: {  	[sflag:s3] =	ssyncadd.s32 $0xFFFFFFF0  }
0x5a: {  	v9 =	vld [tilespmem:$0x80];
	_ =	sdelay $0x4  }
0x5b: {  	v10 =	vshll.u32 v9, $0x3  }
0x5c: {  	v9 =	vand.u32 $0x7, v9;
	v10 =	vand.u32 $0xFFFFFFC0, v10  }
0x5d: {  	v9 =	vor.u32 v9, v10  }
0x5e: {  	v10 =	vperm.xlane v9, v6;
	_ =	sdelay $0x1  }
0x5f: {  	v10 =	vadd.s32 v7, v10;
	_ =	sdelay $0x2  }
0x60: {  	s4 =	rddreg [dreg:$0x1f]  }
0x61: {  	s11 =	simm.s32 $0x4200;
	s2 =	rddreg [dreg:$0x2]  }
0x62: {  	[tilespmem:s11], [sflag:$0x2] =	stream.indirect_vreg.gather [hbm4b:s2+s5], $0x80, v10, vm0, $0xb8;
	[tilespmem:$0xD3C0] =	vst v63  }
0x63: {  	s12 =	simm.s32 $0x4A00;
	s30 =	sld [smem:$0x7FB]  }
0x64: {  	[tilespmem:s12], [sflag:$0x2] =	stream.indirect_vreg.gather [hbm4b:s4+s5], $0x80, v10, vm0, $0xb8;
	[tilespmem:$0xD3C0] =	vst v63  }
0x65: {  	s15 =	simm.s32 $0x5200;
	v9 =	vperm.xlane v9, v8  }
0x66: {  	[tilespmem:s15], [sflag:$0x2] =	stream.indirect_vreg.gather [hbm4b:s30+s5], $0x80, v10, vm0, $0xb8;
	[tilespmem:$0xD3C0] =	vst v63  }
0x67: {  	v9 =	vadd.s32 v7, v9;
	s15 =	sld [smem:$0x7FC];
	_ =	sdelay $0x1  }
0x68: {  	s12 =	simm.s32 $0x5A00  }
0x69: {  	[tilespmem:s12], [sflag:$0x2] =	stream.indirect_vreg.gather [hbm4b:s15+s5], $0x80, v10, vm0, $0xb8;
	[tilespmem:$0xD3C0] =	vst v63  }
0x6a: {  	s12 =	simm.s32 $0x6200  }
0x6b: {  	[tilespmem:s12], [sflag:$0x2] =	stream.indirect_vreg.gather [hbm4b:s2+s5], $0x80, v9, vm0, $0xb8;
	[tilespmem:$0xD3C0] =	vst v63  }
0x6c: {  	_ = 	snop  }
0x6d: {  	[tilespmem:s13], [sflag:$0x2] =	stream.indirect_vreg.gather [hbm4b:s4+s5], $0x80, v9, vm0, $0xb8;
	[tilespmem:$0xD3C0] =	vst v63  }
0x6e: {  	_ = 	snop  }
0x6f: {  	[tilespmem:s14], [sflag:$0x2] =	stream.indirect_vreg.gather [hbm4b:s30+s5], $0x80, v9, vm0, $0xb8;
	[tilespmem:$0xD3C0] =	vst v63  }
0x70: {  	s4 =	simm.s32 $0x7A00  }
0x71: {  	[tilespmem:s4], [sflag:$0x2] =	stream.indirect_vreg.gather [hbm4b:s15+s5], $0x80, v9, vm0, $0xb8;
	[tilespmem:$0xD3C0] =	vst v63  }
0x72: {  	_ =	swait.ge [sflag:s24], $0x4000  }
0x73: {  	[sflag:s24] =	ssyncset.done $0x0  }
0x74: {  	s30 =	rddreg [dreg:$0x12];
	[sflag:s24] =	ssyncadd.s32 $0xFFFFC000  }
0x75: {  	[hbm4b:s30+s5] =	stream.linear.scatter [tilespmem:s31], [sflag:$0x5], $0x4000, $0x38;
	[tilespmem:$0xD3C0] =	vst v63  }
0x76: {  	_ =	swait.ge [sflag:s25], $0x40  }
0x77: {  	[sflag:s25] =	ssyncset.done $0x0  }
0x78: {  	[sflag:s25] =	ssyncadd.s32 $0xFFFFFFC0  }
0x79: {  	v9 =	vld [tilespmem:$0xCA00]  }
0x7a: {  	v10 =	vld [tilespmem:$0xCA10]  }
0x7b: {  	v11 =	vld [tilespmem:$0xCA20];
	_ =	sdelay $0x2  }
0x7c: {  	v12 =	vld [tilespmem:$0xCA30];
	vm1 =	vge.s32 v9, v0  }
0x7d: {  	vm2 =	vlt.s32 v9, v1;
	vm3 =	vge.s32 v10, v0;
	vm4 =	vlt.s32 v10, v1  }
0x7e: {  	v9 =	vsub.s32 v9, v0;
	v10 =	vsub.s32 v10, v0;
	vm15 =	vlt.s32 v11, v1  }
0x7f: {  	vm1 =	vmand vm1, vm2;
	vm2 =	vmand vm3, vm4;
	vm3 =	vge.s32 v11, v0  }
0x80: {  	v9 =	vsel vm1, v9, v2;
	v10 =	vsel vm2, v10, v3;
	vm1 =	vmand vm3, vm15  }
0x81: {  	vm2 =	vge.s32 v12, v0;
	vm3 =	vlt.s32 v12, v1;
	[tilespmem:$0xCA80] =	vst v9;
	v9 =	vsub.s32 v11, v0  }
0x82: {  	[tilespmem:$0xCA90] =	vst v10;
	v10 =	vsub.s32 v12, v0;
	v9 =	vsel vm1, v9, v4;
	vm1 =	vmand vm2, vm3  }
0x83: {  	[tilespmem:$0xCAA0] =	vst v9;
	v9 =	vsel vm1, v10, v5  }
0x84: {  	[tilespmem:$0xCAB0] =	vst v9  }
0x85: {  	_ =	swait.ge [sflag:s26], $0x800  }
0x86: {  	s15 =	sld [smem:$0x7FD]  }
0x87: {  	[sflag:s26] =	ssyncset.done $0x0  }
0x88: {  	s2 =	simm.s32 $0x7;
	[sflag:s26] =	ssyncadd.s32 $0xFFFFF800  }
0x89: {  	[spmem:s15] =	stream.linear.scatter [tilespmem:s0], [sflag:$0x7], $0x800, $0x38;
	[tilespmem:$0xD3C0] =	vst v63  }
0x8a: {  	_ =	swait.ge [sflag:s2], $0x800  }
0x8b: {  	[sflag:s2] =	ssyncset.done $0x0  }
0x8c: {  	[sflag:s2] =	ssyncadd.s32 $0xFFFFF800  }
0x8d: {  	[bflag:$0x0] =	sbarrier.arrive $0xFFFF  }
0x8e: {  	_ =	swait.ge [sflag:s29], $0x40  }
0x8f: {  	s4 =	rddreg [dreg:$0x18];
	[sflag:s29] =	ssyncset.done $0x0  }
0x90: {  	s31 =	rddreg [dreg:$0x19];
	[sflag:s29] =	ssyncadd.s32 $0xFFFFFFC0  }
0x91: {  	s0 =	rddreg [dreg:$0x9]  }
0x92: {  	[spmem:s0] =	stream.indirect.scatter [tilespmem:s1], [sflag:$0x4], $0x1, s31, s4, $0xb8;
	[tilespmem:$0xD3C0] =	vst v63  }
0x93: {  	_ =	swait.ge [sflag:s29], $0x40  }
0x94: {  	[sflag:s29] =	ssyncset.done $0x0  }
0x95: {  	[sflag:s29] =	ssyncadd.s32 $0xFFFFFFC0  }
0x96: {  	[bflag:$0x0] =	sbarrier.arrive $0xFFFF  }
0x97: {  	s31 =	rddreg [dreg:$0x1b]  }
0x98: {  	s0 =	sshrl.u32 s15, $0x3;
	s2 =	rddreg [dreg:$0x13];
	s4 =	sor.u32 $0x1C06, s31  }
0x99: {  	[hbm:s2], [sflag:s4] =	dma.local [spmem:s0], $0x100  }
0x9a: {  	_ =	swait.ge [sflag:s23], $0x4000  }
0x9b: {  	[sflag:s23] =	ssyncset.done $0x0  }
0x9c: {  	[sflag:s23] =	ssyncadd.s32 $0xFFFFC000  }
0x9d: {  	_ =	swait.ge [sflag:s25], $0x10  }
0x9e: {  	[sflag:s25] =	ssyncset.done $0x0  }
0x9f: {  	[sflag:s25] =	ssyncadd.s32 $0xFFFFFFF0  }
0xa0: {  	v9 =	vld [tilespmem:$0x100];
	_ =	sdelay $0x4  }
0xa1: {  	v10 =	vshll.u32 v9, $0x3  }
0xa2: {  	v9 =	vand.u32 $0x7, v9;
	v10 =	vand.u32 $0xFFFFFFC0, v10  }
0xa3: {  	v9 =	vor.u32 v9, v10  }
0xa4: {  	v10 =	vperm.xlane v9, v6;
	_ =	sdelay $0x1  }
0xa5: {  	v10 =	vadd.s32 v7, v10;
	_ =	sdelay $0x4  }
0xa6: {  	[hbm4b:s6+s5] =	stream.indirect_vreg.scatter [tilespmem:s7], [sflag:$0x1], $0x80, v10, vm0, $0xb8;
	[tilespmem:$0xD3C0] =	vst v63  }
0xa7: {  	v9 =	vperm.xlane v9, v8  }
0xa8: {  	[hbm4b:s16+s5] =	stream.indirect_vreg.scatter [tilespmem:s8], [sflag:$0x1], $0x80, v10, vm0, $0xb8;
	[tilespmem:$0xD3C0] =	vst v63  }
0xa9: {  	v9 =	vadd.s32 v7, v9  }
0xaa: {  	[hbm4b:s17+s5] =	stream.indirect_vreg.scatter [tilespmem:s20], [sflag:$0x1], $0x80, v10, vm0, $0xb8;
	[tilespmem:$0xD3C0] =	vst v63  }
0xab: {  	_ = 	snop  }
0xac: {  	[hbm4b:s18+s5] =	stream.indirect_vreg.scatter [tilespmem:s21], [sflag:$0x1], $0x80, v10, vm0, $0xb8;
	[tilespmem:$0xD3C0] =	vst v63  }
0xad: {  	_ = 	snop  }
0xae: {  	[hbm4b:s6+s5] =	stream.indirect_vreg.scatter [tilespmem:s22], [sflag:$0x1], $0x80, v9, vm0, $0xb8;
	[tilespmem:$0xD3C0] =	vst v63  }
0xaf: {  	_ = 	snop  }
0xb0: {  	[hbm4b:s16+s5] =	stream.indirect_vreg.scatter [tilespmem:s28], [sflag:$0x1], $0x80, v9, vm0, $0xb8;
	[tilespmem:$0xD3C0] =	vst v63  }
0xb1: {  	_ = 	snop  }
0xb2: {  	[hbm4b:s17+s5] =	stream.indirect_vreg.scatter [tilespmem:s9], [sflag:$0x1], $0x80, v9, vm0, $0xb8;
	[tilespmem:$0xD3C0] =	vst v63  }
0xb3: {  	_ = 	snop  }
0xb4: {  	[hbm4b:s18+s5] =	stream.indirect_vreg.scatter [tilespmem:s10], [sflag:$0x1], $0x80, v9, vm0, $0xb8;
	[tilespmem:$0xD3C0] =	vst v63  }
0xb5: {  	_ =	swait.ge [sflag:s3], $0x4000  }
0xb6: {  	[sflag:s3] =	ssyncset.done $0x0  }
0xb7: {  	[sflag:s3] =	ssyncadd.s32 $0xFFFFC000  }
0xb8: {  	_ =	swait.ge [sflag:s29], $0x10  }
0xb9: {  	[sflag:s29] =	ssyncset.done $0x0  }
0xba: {  	[sflag:s29] =	ssyncadd.s32 $0xFFFFFFF0  }
0xbb: {  	v9 =	vld [tilespmem:$0x180];
	_ =	sdelay $0x4  }
0xbc: {  	v10 =	vshll.u32 v9, $0x3  }
0xbd: {  	v9 =	vand.u32 $0x7, v9;
	v10 =	vand.u32 $0xFFFFFFC0, v10  }
0xbe: {  	v9 =	vor.u32 v9, v10  }
0xbf: {  	v10 =	vperm.xlane v9, v6;
	_ =	sdelay $0x1  }
0xc0: {  	v10 =	vadd.s32 v7, v10;
	_ =	sdelay $0x4  }
0xc1: {  	[hbm4b:s6+s5] =	stream.indirect_vreg.scatter [tilespmem:s11], [sflag:$0x2], $0x80, v10, vm0, $0xb8;
	[tilespmem:$0xD3C0] =	vst v63  }
0xc2: {  	v9 =	vperm.xlane v9, v8;
	s11 =	simm.s32 $0x4A00  }
0xc3: {  	[hbm4b:s16+s5] =	stream.indirect_vreg.scatter [tilespmem:s11], [sflag:$0x2], $0x80, v10, vm0, $0xb8;
	[tilespmem:$0xD3C0] =	vst v63  }
0xc4: {  	s15 =	simm.s32 $0x5200;
	v9 =	vadd.s32 v7, v9  }
0xc5: {  	[hbm4b:s17+s5] =	stream.indirect_vreg.scatter [tilespmem:s15], [sflag:$0x2], $0x80, v10, vm0, $0xb8;
	[tilespmem:$0xD3C0] =	vst v63  }
0xc6: {  	s30 =	simm.s32 $0x5A00  }
0xc7: {  	[hbm4b:s18+s5] =	stream.indirect_vreg.scatter [tilespmem:s30], [sflag:$0x2], $0x80, v10, vm0, $0xb8;
	[tilespmem:$0xD3C0] =	vst v63  }
0xc8: {  	_ = 	snop  }
0xc9: {  	[hbm4b:s6+s5] =	stream.indirect_vreg.scatter [tilespmem:s12], [sflag:$0x2], $0x80, v9, vm0, $0xb8;
	[tilespmem:$0xD3C0] =	vst v63  }
0xca: {  	_ = 	snop  }
0xcb: {  	[hbm4b:s16+s5] =	stream.indirect_vreg.scatter [tilespmem:s13], [sflag:$0x2], $0x80, v9, vm0, $0xb8;
	[tilespmem:$0xD3C0] =	vst v63  }
0xcc: {  	_ = 	snop  }
0xcd: {  	[hbm4b:s17+s5] =	stream.indirect_vreg.scatter [tilespmem:s14], [sflag:$0x2], $0x80, v9, vm0, $0xb8;
	[tilespmem:$0xD3C0] =	vst v63  }
0xce: {  	s31 =	simm.s32 $0x7A00  }
0xcf: {  	[hbm4b:s18+s5] =	stream.indirect_vreg.scatter [tilespmem:s31], [sflag:$0x2], $0x80, v9, vm0, $0xb8;
	[tilespmem:$0xD3C0] =	vst v63  }
0xd0: {  	_ =	swait.ge [sflag:s24], $0x4000  }
0xd1: {  	[sflag:s24] =	ssyncset.done $0x0  }
0xd2: {  	[sflag:s24] =	ssyncadd.s32 $0xFFFFC000  }
0xd3: {  	_ =	swait.ge [sflag:s26], $0x100  }
0xd4: {  	[sflag:s26] =	ssyncset.done $0x0  }
0xd5: {  	[sflag:s26] =	ssyncadd.s32 $0xFFFFFF00  }
0xd6: {  	p0 =	sne.s32 s19, $0x1;
	_ =	swait.ge [sflag:s23], $0x4000  }
.Ltmp0:
0xd7: {  	[sflag:s23] =	ssyncset.done $0x0;
	(pc) =	sbr.rel @p0 .LBB2_1-.Ltmp0, $4  }
0xd8: {  	[sflag:s23] =	ssyncadd.s32 $0xFFFFC000  }
0xd9: {  	_ =	swait.ge [sflag:s3], $0x4000  }
0xda: {  	[sflag:s3] =	ssyncset.done $0x0  }
0xdb: {  	s19 =	sadd.s32 $0xFFFFFFFF, s19;
	[sflag:s3] =	ssyncadd.s32 $0xFFFFC000  }
0xdc: {  	_ =	sfence.sel $0x180000  }
0xdd: {  	[bflag:$0x0] =	sbarrier.arrive $0xFFFF  }
0xde: {  	_ =	strace $0x90000047  }
0xdf: {  	s0 =	stileid.u32;
	[bflag:$0x2] =	sbarrier.arrive $0xFFFF  }
0xe0: {  	p0 =	sne.s32 s0, $0x0;
	s0 =	rddreg [dreg:$0xa]  }
0xe1: {  	s0 =	sadd.s32 @!p0 $0x100000, s0  }
0xe2: {  	[sflag:s0] =	ssyncadd.tile.s32 @!p0 $0x1;
	_ =	shalt  }
.Lfunc_end2:
_tile_overlayer_lowered:
.L_overlay_start_2:
0xe3: {  	(tag) =	ssettag $0x2  }
0xe4: {  	s0 =	rddreg [dreg:$0x0];
	s2 =	stileid.u32  }
0xe5: {  	s1 =	rddreg [dreg:$0x1];
	p0 =	sne.s32 s2, $0x0  }
0xe6: {  	s3 =	rddreg [dreg:$0x2];
	[bflag:$0x3] =	sbarrier.arrive $0xFFFF;
	s2 =	simm.s32 @!p0 $0x1C07  }
0xe7: {  	[timem:s3], [sflag:s2] =	dma.local @!p0 [hbm:s0], s1  }
0xe8: {  	s0 =	simm.s32 @!p0 $0x7  }
0xe9: {  	_ =	swait.ge @!p0 [sflag:s0], s1  }
0xea: {  	s1 =	ssub.s32 @!p0 $0x0, s1;
	[sflag:s0] =	ssyncset.done @!p0 $0x0  }
0xeb: {  	[sflag:s0] =	ssyncadd.s32 @!p0 s1  }
0xec: {  	[bflag:$0x3] =	sbarrier.arrive $0xFFFF  }
0xed: {  	_ =	shalt  }

</sc_bundles>
